<compile_context>
chip_gen: v7x
topology: tpu7x:2x2x1
jax: 0.10.2.dev20260603
libtpu: 0.0.44.dev20260713+nightly
codegen_flags: <defaults>
</compile_context>

<pallas_src>
import functools

import numpy as np
import jax
import jax.numpy as jnp
from jax import lax
from jax.experimental import pallas as pl
from jax.experimental.pallas import tpu as pltpu
from jax.experimental.pallas import tpu_sc as plsc

_NPERSEG = 32
_STEP = 16
_NSEG = 31
_NF = 17
_L = 512
_NREF = 16
_C = 8
_NB = 512

_HIGH = jax.lax.Precision.HIGHEST
_DNT = (((1,), (1,)), ((), ()))


def _stft_ri_t(x):
    step = _NPERSEG - _NPERSEG // 2
    L = x.shape[-1]
    nseg = (L - _NPERSEG) // step + 1
    idx = np.arange(nseg)[:, None] * step + np.arange(_NPERSEG)[None, :]
    frames = x[..., idx]
    frames = frames - jnp.mean(frames, axis=-1, keepdims=True)
    n = np.arange(_NPERSEG)
    win = (0.5 - 0.5 * np.cos(2.0 * np.pi * n / _NPERSEG)).astype(np.float32)
    Z = jnp.fft.rfft(frames * win, axis=-1)
    Zr = jnp.real(Z).astype(jnp.float32)
    Zi = jnp.imag(Z).astype(jnp.float32)
    Zr = jnp.moveaxis(Zr, -1, -3)
    Zi = jnp.moveaxis(Zi, -1, -3)
    return Zr, Zi


def _dot_d(a, b):
    return jax.lax.dot_general(a, b, _DNT, preferred_element_type=jnp.float32)


def _dot_h(a, b):
    return jax.lax.dot_general(a, b, _DNT, precision=_HIGH,
                               preferred_element_type=jnp.float32)


def _scores_body(xr_ref, xi_ref, yr_ref, yi_ref, out_ref):
    nb = yr_ref.shape[2]
    ones = jnp.ones((1, _NSEG), jnp.float32)
    score = jnp.zeros((nb, _C), jnp.float32)
    for f in range(_NF):
        xr = xr_ref[0, f]
        xi = xi_ref[0, f]
        yr = yr_ref[0, f]
        yi = yi_ref[0, f]
        Pre = _dot_d(yr, xr) + _dot_d(yi, xi)
        Pim = _dot_d(yr, xi) - _dot_d(yi, xr)
        Pxx = _dot_h(ones, xr * xr + xi * xi)
        Pyy = jnp.sum(yr * yr + yi * yi, axis=1, keepdims=True)
        numer = (Pre * Pre + Pim * Pim) * np.float32(1.0 / (_NSEG * _NSEG))
        denom = (Pxx * np.float32(1.0 / _NSEG)) * (Pyy * np.float32(1.0 / _NSEG)) \
            + np.float32(1e-12)
        score = score + numer / denom
    out_ref[0] = score * np.float32(1.0 / _NF)


def _topk_body(s_ref, idx_ref):
    s = s_ref[0]
    n = s.shape[0]
    iota0 = lax.broadcasted_iota(jnp.int32, (n, _C), 0)
    rows16 = lax.broadcasted_iota(jnp.int32, (_NREF, _C), 0)
    acc = jnp.zeros((_NREF, _C), jnp.int32)
    for t in range(_NREF):
        m = jnp.max(s, axis=0, keepdims=True)
        cand = jnp.where(s == m, iota0, jnp.int32(2 * n))
        first = jnp.min(cand, axis=0, keepdims=True)
        acc = jnp.where(rows16 == t, jnp.broadcast_to(first, (_NREF, _C)), acc)
        s = jnp.where(iota0 == first, -jnp.inf, s)
    idx_ref[0] = acc


def _sc_gather(dbflat, idx_flat):
    info = plsc.get_sparse_core_info()
    nw = info.num_cores * info.num_subcores
    nrows = idx_flat.shape[0]
    b_per_w = nrows // nw
    mesh = plsc.VectorSubcoreMesh(core_axis_name="c", subcore_axis_name="s")

    @functools.partial(
        pl.kernel, mesh=mesh,
        out_type=jax.ShapeDtypeStruct((nrows, _L), jnp.float32),
        scratch_types=[
            pltpu.VMEM((b_per_w,), jnp.int32),
            pltpu.VMEM((b_per_w, _L), jnp.float32),
            pltpu.SemaphoreType.DMA,
        ],
    )
    def gather_k(table_hbm, idx_hbm, out_hbm, idx_v, rows_v, sem):
        wid = lax.axis_index("s") * info.num_cores + lax.axis_index("c")
        base = wid * b_per_w
        pltpu.sync_copy(idx_hbm.at[pl.ds(base, b_per_w)], idx_v)
        pltpu.async_copy(table_hbm.at[idx_v], rows_v, sem).wait()
        pltpu.sync_copy(rows_v, out_hbm.at[pl.ds(base, b_per_w)])

    return gather_k(dbflat, idx_flat)


def _compute_scores(target_series, TS_database):
    B, C, L = target_series.shape
    N = TS_database.shape[1]
    Xr, Xi = _stft_ri_t(target_series)
    Yr, Yi = _stft_ri_t(TS_database)
    return pl.pallas_call(
        _scores_body,
        grid=(B, N // _NB),
        in_specs=[
            pl.BlockSpec((1, _NF, C, _NSEG), lambda b, j: (b, 0, 0, 0)),
            pl.BlockSpec((1, _NF, C, _NSEG), lambda b, j: (b, 0, 0, 0)),
            pl.BlockSpec((1, _NF, _NB, _NSEG), lambda b, j: (b, 0, j, 0)),
            pl.BlockSpec((1, _NF, _NB, _NSEG), lambda b, j: (b, 0, j, 0)),
        ],
        out_specs=pl.BlockSpec((1, _NB, C), lambda b, j: (b, j, 0)),
        out_shape=jax.ShapeDtypeStruct((B, N, C), jnp.float32),
    )(Xr, Xi, Yr, Yi)


def _compute_topk(scores):
    B, N, C = scores.shape
    return pl.pallas_call(
        _topk_body,
        grid=(B,),
        in_specs=[pl.BlockSpec((1, N, C), lambda b: (b, 0, 0))],
        out_specs=pl.BlockSpec((1, _NREF, C), lambda b: (b, 0, 0)),
        out_shape=jax.ShapeDtypeStruct((B, _NREF, C), jnp.int32),
    )(scores)


def kernel(target_series, TS_database):
    B, C, L = target_series.shape
    N = TS_database.shape[1]
    scores = _compute_scores(target_series, TS_database)
    idx = _compute_topk(scores)
    idx_flat = (idx + (jnp.arange(B, dtype=jnp.int32) * N)[:, None, None])
    idx_flat = idx_flat.transpose(0, 2, 1).reshape(B * C * _NREF)
    rows = _sc_gather(TS_database.reshape(B * N, L), idx_flat)
    return rows.reshape(B, C * _NREF, L)

# --- scband reference (transcript-rebuilt; emitter-appended) ---
"""Pipeline reference for scband-ts-coher-analysis-54958401519616 (READ-ONLY COPY).

The authoritative reference and input builder live on the scoring server;
editing this copy changes nothing except your own understanding.
"""

import jax, jax.numpy as jnp
import numpy as np

NPERSEG = 32
NOVERLAP = NPERSEG // 2
NREF = 16


def _stft(x, nperseg, noverlap):
    # Welch-style segmentation: 50% overlap, per-segment constant detrend, Hann window, rFFT.
    step = nperseg - noverlap
    L = x.shape[-1]
    nseg = (L - nperseg) // step + 1
    idx = np.arange(nseg)[:, None] * step + np.arange(nperseg)[None, :]
    frames = x[..., idx]  # [..., nseg, nperseg]
    frames = frames - jnp.mean(frames, axis=-1, keepdims=True)  # detrend='constant'
    n = np.arange(nperseg)
    win = (0.5 - 0.5 * np.cos(2.0 * np.pi * n / nperseg)).astype(np.float32)
    frames = frames * win
    return jnp.fft.rfft(frames, axis=-1)  # [..., nseg, F]


def setup_inputs(seed: int = 0) -> dict:
    key = jax.random.key(seed)
    k1, k2 = jax.random.split(key)
    target_series = jax.random.normal(k1, (4, 8, 512), dtype=jnp.float32)
    TS_database = jax.random.normal(k2, (4, 4096, 512), dtype=jnp.float32)
    return {"target_series": target_series, "TS_database": TS_database}


def reference(target_series, TS_database):
    B, C_T, L = target_series.shape
    N = TS_database.shape[1]
    if NREF > N:
        topk_sequences = jnp.tile(TS_database, (1, C_T, 1))
        padding = jnp.tile(jnp.zeros((B, NREF - N, L), dtype=TS_database.dtype), (1, C_T, 1))
        return jnp.concatenate([topk_sequences, padding], axis=1)
    X = _stft(target_series, NPERSEG, NOVERLAP)  # [B, C_T, S, F]
    Y = _stft(TS_database, NPERSEG, NOVERLAP)    # [B, N, S, F]
    S = X.shape[-2]
    # Cross spectral density averaged over segments (avoid materializing [B,C,N,S,F])
    Pxy = jnp.einsum('bcsf,bnsf->bcnf', X, jnp.conj(Y)) / S  # [B, C_T, N, F]
    Pxx = jnp.mean(jnp.abs(X) ** 2, axis=-2)                 # [B, C_T, F]
    Pyy = jnp.mean(jnp.abs(Y) ** 2, axis=-2)                 # [B, N, F]
    coh = (jnp.abs(Pxy) ** 2) / (Pxx[:, :, None, :] * Pyy[:, None, :, :] + 1e-12)
    coherence_scores = jnp.mean(coh, axis=-1)                # [B, C_T, N]
    _, topk_indices = jax.lax.top_k(coherence_scores, NREF)  # [B, C_T, NREF]
    batch_idx = jnp.arange(B)[:, None, None]
    gathered = TS_database[batch_idx, topk_indices]          # [B, C_T, NREF, L]
    return gathered.reshape(B, C_T * NREF, L)

if __name__ == "__main__":
    import jax
    _d = setup_inputs()
    print(jax.jit(kernel)(*tuple(_d.values())))

</pallas_src>

<mosaic_0001>
#map = affine_map<(d0, d1) -> (0, 0)>
#map1 = affine_map<(d0, d1) -> (0)>
module attributes {stable_mosaic.version = 14 : i64} {
  func.func @gather_k(%arg0: i32, %arg1: i32, %arg2: memref<16384x512xf32, #tpu.memory_space<hbm>>, %arg3: memref<512xi32, #tpu.memory_space<hbm>>, %arg4: memref<512x512xf32, #tpu.memory_space<hbm>>, %arg5: memref<16xi32, #tpu.memory_space<vmem>>, %arg6: memref<16x512xf32, #tpu.memory_space<vmem>>, %arg7: memref<!tpu.dma_semaphore, #tpu.memory_space<semaphore_mem>>) attributes {dimension_semantics = [#tpu.dimension_semantics<core_parallel>, #tpu.dimension_semantics<subcore_parallel>], iteration_bounds = array<i64: 2, 16>, scalar_prefetch = 0 : i64, scratch_operands = 3 : i64, tpu.core_type = #tpu.core_type<sc_vector_subcore>, window_params = [{transform_indices = #map}, {transform_indices = #map1}, {transform_indices = #map}]} {
    %mul3A = arith.constant 2 : i32
    %mul3A_0 = arith.muli %arg1, %mul3A : i32
    %add3A = arith.addi %mul3A_0, %arg0 : i32
    %mul3A_1 = arith.constant 16 : i32
    %mul3A_2 = arith.muli %add3A, %mul3A_1 : i32
    "tpu.region"() ({
      %run_scoped3A = tpu.sem_alloc : memref<!tpu.dma_semaphore, #tpu.memory_space<semaphore_mem>>
      %dma_start3A_7 = tpu.memref_slice %arg3[%mul3A_2] : memref<512xi32, #tpu.memory_space<hbm>> -> memref<16xi32, #tpu.memory_space<hbm>>
      %dma_start3A_8 = tpu.memref_slice %arg3[%mul3A_2] : memref<512xi32, #tpu.memory_space<hbm>> -> memref<16xi32, #tpu.memory_space<hbm>>
      tpu.enqueue_dma source(%dma_start3A_8 : memref<16xi32, #tpu.memory_space<hbm>>) target(%arg5 : memref<16xi32, #tpu.memory_space<vmem>>) target_semaphore(%run_scoped3A : memref<!tpu.dma_semaphore, #tpu.memory_space<semaphore_mem>>)
      %dma_wait3A_9 = tpu.memref_slice %arg3[%mul3A_2] : memref<512xi32, #tpu.memory_space<hbm>> -> memref<16xi32, #tpu.memory_space<hbm>>
      %dma_wait3A_10 = tpu.memref_slice %arg3[%mul3A_2] : memref<512xi32, #tpu.memory_space<hbm>> -> memref<16xi32, #tpu.memory_space<hbm>>
      tpu.wait_dma2 semaphore(%run_scoped3A : memref<!tpu.dma_semaphore, #tpu.memory_space<semaphore_mem>>) src(%dma_wait3A_10 : memref<16xi32, #tpu.memory_space<hbm>>) dst(%arg5 : memref<16xi32, #tpu.memory_space<vmem>>)
      tpu.yield
    }) : () -> ()
    %dma_start3A = arith.constant 0 : i32
    %dma_start3A_3 = arith.constant 0 : i32
    %dma_start3A_4 = tpu.memref_slice %arg2[%dma_start3A, %dma_start3A_3] : memref<16384x512xf32, #tpu.memory_space<hbm>> -> memref<16384x512xf32, #tpu.memory_space<hbm>>
    tpu.enqueue_indirect_dma source(%dma_start3A_4 : memref<16384x512xf32, #tpu.memory_space<hbm>>) target(%arg6 : memref<16x512xf32, #tpu.memory_space<vmem>>) offsets(%arg5 : memref<16xi32, #tpu.memory_space<vmem>>) semaphore(%arg7 : memref<!tpu.dma_semaphore, #tpu.memory_space<semaphore_mem>>)
    %dma_wait3A = arith.constant 0 : i32
    %dma_wait3A_5 = arith.constant 0 : i32
    %dma_wait3A_6 = tpu.memref_slice %arg2[%dma_wait3A, %dma_wait3A_5] : memref<16384x512xf32, #tpu.memory_space<hbm>> -> memref<16384x512xf32, #tpu.memory_space<hbm>>
    tpu.wait_indirect_dma semaphore(%arg7 : memref<!tpu.dma_semaphore, #tpu.memory_space<semaphore_mem>>) src(%dma_wait3A_6 : memref<16384x512xf32, #tpu.memory_space<hbm>>) dst(%arg6 : memref<16x512xf32, #tpu.memory_space<vmem>>)
    "tpu.region"() ({
      %run_scoped3A = tpu.sem_alloc : memref<!tpu.dma_semaphore, #tpu.memory_space<semaphore_mem>>
      %dma_start3A_7 = arith.constant 0 : i32
      %dma_start3A_8 = tpu.memref_slice %arg4[%mul3A_2, %dma_start3A_7] : memref<512x512xf32, #tpu.memory_space<hbm>> -> memref<16x512xf32, #tpu.memory_space<hbm>>
      %dma_start3A_9 = arith.constant 0 : i32
      %dma_start3A_10 = tpu.memref_slice %arg4[%mul3A_2, %dma_start3A_9] : memref<512x512xf32, #tpu.memory_space<hbm>> -> memref<16x512xf32, #tpu.memory_space<hbm>>
      tpu.enqueue_dma source(%arg6 : memref<16x512xf32, #tpu.memory_space<vmem>>) target(%dma_start3A_10 : memref<16x512xf32, #tpu.memory_space<hbm>>) target_semaphore(%run_scoped3A : memref<!tpu.dma_semaphore, #tpu.memory_space<semaphore_mem>>)
      %dma_wait3A_11 = arith.constant 0 : i32
      %dma_wait3A_12 = tpu.memref_slice %arg4[%mul3A_2, %dma_wait3A_11] : memref<512x512xf32, #tpu.memory_space<hbm>> -> memref<16x512xf32, #tpu.memory_space<hbm>>
      %dma_wait3A_13 = arith.constant 0 : i32
      %dma_wait3A_14 = tpu.memref_slice %arg4[%mul3A_2, %dma_wait3A_13] : memref<512x512xf32, #tpu.memory_space<hbm>> -> memref<16x512xf32, #tpu.memory_space<hbm>>
      tpu.wait_dma2 semaphore(%run_scoped3A : memref<!tpu.dma_semaphore, #tpu.memory_space<semaphore_mem>>) src(%arg6 : memref<16x512xf32, #tpu.memory_space<vmem>>) dst(%dma_wait3A_14 : memref<16x512xf32, #tpu.memory_space<hbm>>)
      tpu.yield
    }) : () -> ()
    return
  }
}

module attributes {stable_mosaic.version = 14 : i64} {
  func.func @_scores_body(%arg0: i32, %arg1: i32, %arg2: memref<1x17x8x31xf32, #tpu.memory_space<vmem>>, %arg3: memref<1x17x8x31xf32, #tpu.memory_space<vmem>>, %arg4: memref<1x17x512x31xf32, #tpu.memory_space<vmem>>, %arg5: memref<1x17x512x31xf32, #tpu.memory_space<vmem>>, %arg6: memref<1x512x8xf32, #tpu.memory_space<vmem>>) attributes {dimension_semantics = [#tpu.dimension_semantics<arbitrary>, #tpu.dimension_semantics<arbitrary>], iteration_bounds = array<i64: 4, 8>, scalar_prefetch = 0 : i64, scratch_operands = 0 : i64, tpu.core_type = #tpu.core_type<tc>, window_params = [{transform_indices = @transform_0, window_bounds = array<i64: 1, 17, 8, 31>}, {transform_indices = @transform_1, window_bounds = array<i64: 1, 17, 8, 31>}, {transform_indices = @transform_2, window_bounds = array<i64: 1, 17, 512, 31>}, {transform_indices = @transform_3, window_bounds = array<i64: 1, 17, 512, 31>}, {transform_indices = @transform_4, window_bounds = array<i64: 1, 512, 8>}]} {
    %broadcast_in_dim3A = arith.constant 1.000000e+00 : f32
    %broadcast_in_dim3A_0 = vector.broadcast %broadcast_in_dim3A : f32 to vector<1x31xf32>
    %broadcast_in_dim3A_1 = arith.constant 0.000000e+00 : f32
    %broadcast_in_dim3A_2 = vector.broadcast %broadcast_in_dim3A_1 : f32 to vector<512x8xf32>
    %get3A = arith.constant 0 : index
    %get3A_3 = arith.constant 0 : index
    %get3A_4 = arith.constant 0 : index
    %get3A_5 = arith.constant 0 : index
    %get3A_6 = vector.load %arg2[%get3A, %get3A_3, %get3A_4, %get3A_5] : memref<1x17x8x31xf32, #tpu.memory_space<vmem>>, vector<1x1x8x31xf32>
    %get3A_7 = vector.shape_cast %get3A_6 : vector<1x1x8x31xf32> to vector<8x31xf32>
    %get3A_8 = arith.constant 0 : index
    %get3A_9 = arith.constant 0 : index
    %get3A_10 = arith.constant 0 : index
    %get3A_11 = arith.constant 0 : index
    %get3A_12 = vector.load %arg3[%get3A_8, %get3A_9, %get3A_10, %get3A_11] : memref<1x17x8x31xf32, #tpu.memory_space<vmem>>, vector<1x1x8x31xf32>
    %get3A_13 = vector.shape_cast %get3A_12 : vector<1x1x8x31xf32> to vector<8x31xf32>
    %get3A_14 = arith.constant 0 : index
    %get3A_15 = arith.constant 0 : index
    %get3A_16 = arith.constant 0 : index
    %get3A_17 = arith.constant 0 : index
    %get3A_18 = vector.load %arg4[%get3A_14, %get3A_15, %get3A_16, %get3A_17] : memref<1x17x512x31xf32, #tpu.memory_space<vmem>>, vector<1x1x512x31xf32>
    %get3A_19 = vector.shape_cast %get3A_18 : vector<1x1x512x31xf32> to vector<512x31xf32>
    %get3A_20 = arith.constant 0 : index
    %get3A_21 = arith.constant 0 : index
    %get3A_22 = arith.constant 0 : index
    %get3A_23 = arith.constant 0 : index
    %get3A_24 = vector.load %arg5[%get3A_20, %get3A_21, %get3A_22, %get3A_23] : memref<1x17x512x31xf32, #tpu.memory_space<vmem>>, vector<1x1x512x31xf32>
    %get3A_25 = vector.shape_cast %get3A_24 : vector<1x1x512x31xf32> to vector<512x31xf32>
    %dot_general3A = arith.constant dense<0.000000e+00> : vector<512x8xf32>
    %dot_general3A_26 = tpu.matmul %get3A_19, %get3A_7, %dot_general3A {dimension_numbers = #tpu.dot_dimension_numbers<[1], [1], [0], [0], [0, 0, 1, 0], [], []>, transpose_lhs_hint = false} : vector<512x31xf32>, vector<8x31xf32>, vector<512x8xf32> -> vector<512x8xf32>
    %dot_general3A_27 = arith.constant dense<0.000000e+00> : vector<512x8xf32>
    %dot_general3A_28 = tpu.matmul %get3A_25, %get3A_13, %dot_general3A_27 {dimension_numbers = #tpu.dot_dimension_numbers<[1], [1], [0], [0], [0, 0, 1, 0], [], []>, transpose_lhs_hint = false} : vector<512x31xf32>, vector<8x31xf32>, vector<512x8xf32> -> vector<512x8xf32>
    %add3A = arith.addf %dot_general3A_26, %dot_general3A_28 : vector<512x8xf32>
    %dot_general3A_29 = arith.constant dense<0.000000e+00> : vector<512x8xf32>
    %dot_general3A_30 = tpu.matmul %get3A_19, %get3A_13, %dot_general3A_29 {dimension_numbers = #tpu.dot_dimension_numbers<[1], [1], [0], [0], [0, 0, 1, 0], [], []>, transpose_lhs_hint = false} : vector<512x31xf32>, vector<8x31xf32>, vector<512x8xf32> -> vector<512x8xf32>
    %dot_general3A_31 = arith.constant dense<0.000000e+00> : vector<512x8xf32>
    %dot_general3A_32 = tpu.matmul %get3A_25, %get3A_7, %dot_general3A_31 {dimension_numbers = #tpu.dot_dimension_numbers<[1], [1], [0], [0], [0, 0, 1, 0], [], []>, transpose_lhs_hint = false} : vector<512x31xf32>, vector<8x31xf32>, vector<512x8xf32> -> vector<512x8xf32>
    %sub3A = arith.subf %dot_general3A_30, %dot_general3A_32 : vector<512x8xf32>
    %mul3A = arith.mulf %get3A_7, %get3A_7 : vector<8x31xf32>
    %mul3A_33 = arith.mulf %get3A_13, %get3A_13 : vector<8x31xf32>
    %add3A_34 = arith.addf %mul3A, %mul3A_33 : vector<8x31xf32>
    %dot_general3A_35 = arith.constant dense<0.000000e+00> : vector<1x8xf32>
    %dot_general3A_36 = tpu.matmul %broadcast_in_dim3A_0, %add3A_34, %dot_general3A_35 {dimension_numbers = #tpu.dot_dimension_numbers<[1], [1], [0], [0], [0, 0, 1, 0], [], []>, precision = #tpu.contract_precision<fp32>, transpose_lhs_hint = false} : vector<1x31xf32>, vector<8x31xf32>, vector<1x8xf32> -> vector<1x8xf32>
    %mul3A_37 = arith.mulf %get3A_19, %get3A_19 : vector<512x31xf32>
    %mul3A_38 = arith.mulf %get3A_25, %get3A_25 : vector<512x31xf32>
    %add3A_39 = arith.addf %mul3A_37, %mul3A_38 : vector<512x31xf32>
    %reduce_sum3A = arith.constant dense<0.000000e+00> : vector<512xf32>
    %reduce_sum3A_40 = vector.multi_reduction <add>, %add3A_39, %reduce_sum3A [1] : vector<512x31xf32> to vector<512xf32>
    %broadcast_in_dim3A_41 = vector.shape_cast %reduce_sum3A_40 : vector<512xf32> to vector<512x1xf32>
    %mul3A_42 = arith.mulf %add3A, %add3A : vector<512x8xf32>
    %mul3A_43 = arith.mulf %sub3A, %sub3A : vector<512x8xf32>
    %add3A_44 = arith.addf %mul3A_42, %mul3A_43 : vector<512x8xf32>
    %mul3A_45 = arith.constant 0.00104058278 : f32
    %mul3A_46 = vector.broadcast %mul3A_45 : f32 to vector<512x8xf32>
    %mul3A_47 = arith.mulf %add3A_44, %mul3A_46 : vector<512x8xf32>
    %mul3A_48 = arith.constant 0.0322580636 : f32
    %mul3A_49 = vector.broadcast %mul3A_48 : f32 to vector<1x8xf32>
    %mul3A_50 = arith.mulf %dot_general3A_36, %mul3A_49 : vector<1x8xf32>
    %mul3A_51 = arith.constant 0.0322580636 : f32
    %mul3A_52 = vector.broadcast %mul3A_51 : f32 to vector<512x1xf32>
    %mul3A_53 = arith.mulf %broadcast_in_dim3A_41, %mul3A_52 : vector<512x1xf32>
    %mul3A_54 = vector.broadcast %mul3A_50 : vector<1x8xf32> to vector<512x8xf32>
    %mul3A_55 = vector.broadcast %mul3A_53 : vector<512x1xf32> to vector<512x8xf32>
    %mul3A_56 = arith.mulf %mul3A_54, %mul3A_55 : vector<512x8xf32>
    %add3A_57 = arith.constant 9.99999996E-13 : f32
    %add3A_58 = vector.broadcast %add3A_57 : f32 to vector<512x8xf32>
    %add3A_59 = arith.addf %mul3A_56, %add3A_58 : vector<512x8xf32>
    %div3A = arith.divf %mul3A_47, %add3A_59 : vector<512x8xf32>
    %add3A_60 = arith.addf %broadcast_in_dim3A_2, %div3A : vector<512x8xf32>
    %get3A_61 = arith.constant 0 : index
    %get3A_62 = arith.constant 1 : index
    %get3A_63 = arith.constant 0 : index
    %get3A_64 = arith.constant 0 : index
    %get3A_65 = vector.load %arg2[%get3A_61, %get3A_62, %get3A_63, %get3A_64] : memref<1x17x8x31xf32, #tpu.memory_space<vmem>>, vector<1x1x8x31xf32>
    %get3A_66 = vector.shape_cast %get3A_65 : vector<1x1x8x31xf32> to vector<8x31xf32>
    %get3A_67 = arith.constant 0 : index
    %get3A_68 = arith.constant 1 : index
    %get3A_69 = arith.constant 0 : index
    %get3A_70 = arith.constant 0 : index
    %get3A_71 = vector.load %arg3[%get3A_67, %get3A_68, %get3A_69, %get3A_70] : memref<1x17x8x31xf32, #tpu.memory_space<vmem>>, vector<1x1x8x31xf32>
    %get3A_72 = vector.shape_cast %get3A_71 : vector<1x1x8x31xf32> to vector<8x31xf32>
    %get3A_73 = arith.constant 0 : index
    %get3A_74 = arith.constant 1 : index
    %get3A_75 = arith.constant 0 : index
    %get3A_76 = arith.constant 0 : index
    %get3A_77 = vector.load %arg4[%get3A_73, %get3A_74, %get3A_75, %get3A_76] : memref<1x17x512x31xf32, #tpu.memory_space<vmem>>, vector<1x1x512x31xf32>
    %get3A_78 = vector.shape_cast %get3A_77 : vector<1x1x512x31xf32> to vector<512x31xf32>
    %get3A_79 = arith.constant 0 : index
    %get3A_80 = arith.constant 1 : index
    %get3A_81 = arith.constant 0 : index
    %get3A_82 = arith.constant 0 : index
    %get3A_83 = vector.load %arg5[%get3A_79, %get3A_80, %get3A_81, %get3A_82] : memref<1x17x512x31xf32, #tpu.memory_space<vmem>>, vector<1x1x512x31xf32>
    %get3A_84 = vector.shape_cast %get3A_83 : vector<1x1x512x31xf32> to vector<512x31xf32>
    %dot_general3A_85 = arith.constant dense<0.000000e+00> : vector<512x8xf32>
    %dot_general3A_86 = tpu.matmul %get3A_78, %get3A_66, %dot_general3A_85 {dimension_numbers = #tpu.dot_dimension_numbers<[1], [1], [0], [0], [0, 0, 1, 0], [], []>, transpose_lhs_hint = false} : vector<512x31xf32>, vector<8x31xf32>, vector<512x8xf32> -> vector<512x8xf32>
    %dot_general3A_87 = arith.constant dense<0.000000e+00> : vector<512x8xf32>
    %dot_general3A_88 = tpu.matmul %get3A_84, %get3A_72, %dot_general3A_87 {dimension_numbers = #tpu.dot_dimension_numbers<[1], [1], [0], [0], [0, 0, 1, 0], [], []>, transpose_lhs_hint = false} : vector<512x31xf32>, vector<8x31xf32>, vector<512x8xf32> -> vector<512x8xf32>
    %add3A_89 = arith.addf %dot_general3A_86, %dot_general3A_88 : vector<512x8xf32>
    %dot_general3A_90 = arith.constant dense<0.000000e+00> : vector<512x8xf32>
    %dot_general3A_91 = tpu.matmul %get3A_78, %get3A_72, %dot_general3A_90 {dimension_numbers = #tpu.dot_dimension_numbers<[1], [1], [0], [0], [0, 0, 1, 0], [], []>, transpose_lhs_hint = false} : vector<512x31xf32>, vector<8x31xf32>, vector<512x8xf32> -> vector<512x8xf32>
    %dot_general3A_92 = arith.constant dense<0.000000e+00> : vector<512x8xf32>
    %dot_general3A_93 = tpu.matmul %get3A_84, %get3A_66, %dot_general3A_92 {dimension_numbers = #tpu.dot_dimension_numbers<[1], [1], [0], [0], [0, 0, 1, 0], [], []>, transpose_lhs_hint = false} : vector<512x31xf32>, vector<8x31xf32>, vector<512x8xf32> -> vector<512x8xf32>
    %sub3A_94 = arith.subf %dot_general3A_91, %dot_general3A_93 : vector<512x8xf32>
    %mul3A_95 = arith.mulf %get3A_66, %get3A_66 : vector<8x31xf32>
    %mul3A_96 = arith.mulf %get3A_72, %get3A_72 : vector<8x31xf32>
    %add3A_97 = arith.addf %mul3A_95, %mul3A_96 : vector<8x31xf32>
    %dot_general3A_98 = arith.constant dense<0.000000e+00> : vector<1x8xf32>
    %dot_general3A_99 = tpu.matmul %broadcast_in_dim3A_0, %add3A_97, %dot_general3A_98 {dimension_numbers = #tpu.dot_dimension_numbers<[1], [1], [0], [0], [0, 0, 1, 0], [], []>, precision = #tpu.contract_precision<fp32>, transpose_lhs_hint = false} : vector<1x31xf32>, vector<8x31xf32>, vector<1x8xf32> -> vector<1x8xf32>
    %mul3A_100 = arith.mulf %get3A_78, %get3A_78 : vector<512x31xf32>
    %mul3A_101 = arith.mulf %get3A_84, %get3A_84 : vector<512x31xf32>
    %add3A_102 = arith.addf %mul3A_100, %mul3A_101 : vector<512x31xf32>
    %reduce_sum3A_103 = arith.constant dense<0.000000e+00> : vector<512xf32>
    %reduce_sum3A_104 = vector.multi_reduction <add>, %add3A_102, %reduce_sum3A_103 [1] : vector<512x31xf32> to vector<512xf32>
    %broadcast_in_dim3A_105 = vector.shape_cast %reduce_sum3A_104 : vector<512xf32> to vector<512x1xf32>
    %mul3A_106 = arith.mulf %add3A_89, %add3A_89 : vector<512x8xf32>
    %mul3A_107 = arith.mulf %sub3A_94, %sub3A_94 : vector<512x8xf32>
    %add3A_108 = arith.addf %mul3A_106, %mul3A_107 : vector<512x8xf32>
    %mul3A_109 = arith.constant 0.00104058278 : f32
    %mul3A_110 = vector.broadcast %mul3A_109 : f32 to vector<512x8xf32>
    %mul3A_111 = arith.mulf %add3A_108, %mul3A_110 : vector<512x8xf32>
    %mul3A_112 = arith.constant 0.0322580636 : f32
    %mul3A_113 = vector.broadcast %mul3A_112 : f32 to vector<1x8xf32>
    %mul3A_114 = arith.mulf %dot_general3A_99, %mul3A_113 : vector<1x8xf32>
    %mul3A_115 = arith.constant 0.0322580636 : f32
    %mul3A_116 = vector.broadcast %mul3A_115 : f32 to vector<512x1xf32>
    %mul3A_117 = arith.mulf %broadcast_in_dim3A_105, %mul3A_116 : vector<512x1xf32>
    %mul3A_118 = vector.broadcast %mul3A_114 : vector<1x8xf32> to vector<512x8xf32>
    %mul3A_119 = vector.broadcast %mul3A_117 : vector<512x1xf32> to vector<512x8xf32>
    %mul3A_120 = arith.mulf %mul3A_118, %mul3A_119 : vector<512x8xf32>
    %add3A_121 = arith.constant 9.99999996E-13 : f32
    %add3A_122 = vector.broadcast %add3A_121 : f32 to vector<512x8xf32>
    %add3A_123 = arith.addf %mul3A_120, %add3A_122 : vector<512x8xf32>
    %div3A_124 = arith.divf %mul3A_111, %add3A_123 : vector<512x8xf32>
    %add3A_125 = arith.addf %add3A_60, %div3A_124 : vector<512x8xf32>
    %get3A_126 = arith.constant 0 : index
    %get3A_127 = arith.constant 2 : index
    %get3A_128 = arith.constant 0 : index
    %get3A_129 = arith.constant 0 : index
    %get3A_130 = vector.load %arg2[%get3A_126, %get3A_127, %get3A_128, %get3A_129] : memref<1x17x8x31xf32, #tpu.memory_space<vmem>>, vector<1x1x8x31xf32>
    %get3A_131 = vector.shape_cast %get3A_130 : vector<1x1x8x31xf32> to vector<8x31xf32>
    %get3A_132 = arith.constant 0 : index
    %get3A_133 = arith.constant 2 : index
    %get3A_134 = arith.constant 0 : index
    %get3A_135 = arith.constant 0 : index
    %get3A_136 = vector.load %arg3[%get3A_132, %get3A_133, %get3A_134, %get3A_135] : memref<1x17x8x31xf32, #tpu.memory_space<vmem>>, vector<1x1x8x31xf32>
    %get3A_137 = vector.shape_cast %get3A_136 : vector<1x1x8x31xf32> to vector<8x31xf32>
    %get3A_138 = arith.constant 0 : index
    %get3A_139 = arith.constant 2 : index
    %get3A_140 = arith.constant 0 : index
    %get3A_141 = arith.constant 0 : index
    %get3A_142 = vector.load %arg4[%get3A_138, %get3A_139, %get3A_140, %get3A_141] : memref<1x17x512x31xf32, #tpu.memory_space<vmem>>, vector<1x1x512x31xf32>
    %get3A_143 = vector.shape_cast %get3A_142 : vector<1x1x512x31xf32> to vector<512x31xf32>
    %get3A_144 = arith.constant 0 : index
    %get3A_145 = arith.constant 2 : index
    %get3A_146 = arith.constant 0 : index
    %get3A_147 = arith.constant 0 : index
    %get3A_148 = vector.load %arg5[%get3A_144, %get3A_145, %get3A_146, %get3A_147] : memref<1x17x512x31xf32, #tpu.memory_space<vmem>>, vector<1x1x512x31xf32>
    %get3A_149 = vector.shape_cast %get3A_148 : vector<1x1x512x31xf32> to vector<512x31xf32>
    %dot_general3A_150 = arith.constant dense<0.000000e+00> : vector<512x8xf32>
    %dot_general3A_151 = tpu.matmul %get3A_143, %get3A_131, %dot_general3A_150 {dimension_numbers = #tpu.dot_dimension_numbers<[1], [1], [0], [0], [0, 0, 1, 0], [], []>, transpose_lhs_hint = false} : vector<512x31xf32>, vector<8x31xf32>, vector<512x8xf32> -> vector<512x8xf32>
    %dot_general3A_152 = arith.constant dense<0.000000e+00> : vector<512x8xf32>
    %dot_general3A_153 = tpu.matmul %get3A_149, %get3A_137, %dot_general3A_152 {dimension_numbers = #tpu.dot_dimension_numbers<[1], [1], [0], [0], [0, 0, 1, 0], [], []>, transpose_lhs_hint = false} : vector<512x31xf32>, vector<8x31xf32>, vector<512x8xf32> -> vector<512x8xf32>
    %add3A_154 = arith.addf %dot_general3A_151, %dot_general3A_153 : vector<512x8xf32>
    %dot_general3A_155 = arith.constant dense<0.000000e+00> : vector<512x8xf32>
    %dot_general3A_156 = tpu.matmul %get3A_143, %get3A_137, %dot_general3A_155 {dimension_numbers = #tpu.dot_dimension_numbers<[1], [1], [0], [0], [0, 0, 1, 0], [], []>, transpose_lhs_hint = false} : vector<512x31xf32>, vector<8x31xf32>, vector<512x8xf32> -> vector<512x8xf32>
    %dot_general3A_157 = arith.constant dense<0.000000e+00> : vector<512x8xf32>
    %dot_general3A_158 = tpu.matmul %get3A_149, %get3A_131, %dot_general3A_157 {dimension_numbers = #tpu.dot_dimension_numbers<[1], [1], [0], [0], [0, 0, 1, 0], [], []>, transpose_lhs_hint = false} : vector<512x31xf32>, vector<8x31xf32>, vector<512x8xf32> -> vector<512x8xf32>
    %sub3A_159 = arith.subf %dot_general3A_156, %dot_general3A_158 : vector<512x8xf32>
    %mul3A_160 = arith.mulf %get3A_131, %get3A_131 : vector<8x31xf32>
    %mul3A_161 = arith.mulf %get3A_137, %get3A_137 : vector<8x31xf32>
    %add3A_162 = arith.addf %mul3A_160, %mul3A_161 : vector<8x31xf32>
    %dot_general3A_163 = arith.constant dense<0.000000e+00> : vector<1x8xf32>
    %dot_general3A_164 = tpu.matmul %broadcast_in_dim3A_0, %add3A_162, %dot_general3A_163 {dimension_numbers = #tpu.dot_dimension_numbers<[1], [1], [0], [0], [0, 0, 1, 0], [], []>, precision = #tpu.contract_precision<fp32>, transpose_lhs_hint = false} : vector<1x31xf32>, vector<8x31xf32>, vector<1x8xf32> -> vector<1x8xf32>
    %mul3A_165 = arith.mulf %get3A_143, %get3A_143 : vector<512x31xf32>
    %mul3A_166 = arith.mulf %get3A_149, %get3A_149 : vector<512x31xf32>
    %add3A_167 = arith.addf %mul3A_165, %mul3A_166 : vector<512x31xf32>
    %reduce_sum3A_168 = arith.constant dense<0.000000e+00> : vector<512xf32>
    %reduce_sum3A_169 = vector.multi_reduction <add>, %add3A_167, %reduce_sum3A_168 [1] : vector<512x31xf32> to vector<512xf32>
    %broadcast_in_dim3A_170 = vector.shape_cast %reduce_sum3A_169 : vector<512xf32> to vector<512x1xf32>
    %mul3A_171 = arith.mulf %add3A_154, %add3A_154 : vector<512x8xf32>
    %mul3A_172 = arith.mulf %sub3A_159, %sub3A_159 : vector<512x8xf32>
    %add3A_173 = arith.addf %mul3A_171, %mul3A_172 : vector<512x8xf32>
    %mul3A_174 = arith.constant 0.00104058278 : f32
    %mul3A_175 = vector.broadcast %mul3A_174 : f32 to vector<512x8xf32>
    %mul3A_176 = arith.mulf %add3A_173, %mul3A_175 : vector<512x8xf32>
    %mul3A_177 = arith.constant 0.0322580636 : f32
    %mul3A_178 = vector.broadcast %mul3A_177 : f32 to vector<1x8xf32>
    %mul3A_179 = arith.mulf %dot_general3A_164, %mul3A_178 : vector<1x8xf32>
    %mul3A_180 = arith.constant 0.0322580636 : f32
    %mul3A_181 = vector.broadcast %mul3A_180 : f32 to vector<512x1xf32>
    %mul3A_182 = arith.mulf %broadcast_in_dim3A_170, %mul3A_181 : vector<512x1xf32>
    %mul3A_183 = vector.broadcast %mul3A_179 : vector<1x8xf32> to vector<512x8xf32>
    %mul3A_184 = vector.broadcast %mul3A_182 : vector<512x1xf32> to vector<512x8xf32>
    %mul3A_185 = arith.mulf %mul3A_183, %mul3A_184 : vector<512x8xf32>
    %add3A_186 = arith.constant 9.99999996E-13 : f32
    %add3A_187 = vector.broadcast %add3A_186 : f32 to vector<512x8xf32>
    %add3A_188 = arith.addf %mul3A_185, %add3A_187 : vector<512x8xf32>
    %div3A_189 = arith.divf %mul3A_176, %add3A_188 : vector<512x8xf32>
    %add3A_190 = arith.addf %add3A_125, %div3A_189 : vector<512x8xf32>
    %get3A_191 = arith.constant 0 : index
    %get3A_192 = arith.constant 3 : index
    %get3A_193 = arith.constant 0 : index
    %get3A_194 = arith.constant 0 : index
    %get3A_195 = vector.load %arg2[%get3A_191, %get3A_192, %get3A_193, %get3A_194] : memref<1x17x8x31xf32, #tpu.memory_space<vmem>>, vector<1x1x8x31xf32>
    %get3A_196 = vector.shape_cast %get3A_195 : vector<1x1x8x31xf32> to vector<8x31xf32>
    %get3A_197 = arith.constant 0 : index
    %get3A_198 = arith.constant 3 : index
    %get3A_199 = arith.constant 0 : index
    %get3A_200 = arith.constant 0 : index
    %get3A_201 = vector.load %arg3[%get3A_197, %get3A_198, %get3A_199, %get3A_200] : memref<1x17x8x31xf32, #tpu.memory_space<vmem>>, vector<1x1x8x31xf32>
    %get3A_202 = vector.shape_cast %get3A_201 : vector<1x1x8x31xf32> to vector<8x31xf32>
    %get3A_203 = arith.constant 0 : index
    %get3A_204 = arith.constant 3 : index
    %get3A_205 = arith.constant 0 : index
    %get3A_206 = arith.constant 0 : index
    %get3A_207 = vector.load %arg4[%get3A_203, %get3A_204, %get3A_205, %get3A_206] : memref<1x17x512x31xf32, #tpu.memory_space<vmem>>, vector<1x1x512x31xf32>
    %get3A_208 = vector.shape_cast %get3A_207 : vector<1x1x512x31xf32> to vector<512x31xf32>
    %get3A_209 = arith.constant 0 : index
    %get3A_210 = arith.constant 3 : index
    %get3A_211 = arith.constant 0 : index
    %get3A_212 = arith.constant 0 : index
    %get3A_213 = vector.load %arg5[%get3A_209, %get3A_210, %get3A_211, %get3A_212] : memref<1x17x512x31xf32, #tpu.memory_space<vmem>>, vector<1x1x512x31xf32>
    %get3A_214 = vector.shape_cast %get3A_213 : vector<1x1x512x31xf32> to vector<512x31xf32>
    %dot_general3A_215 = arith.constant dense<0.000000e+00> : vector<512x8xf32>
    %dot_general3A_216 = tpu.matmul %get3A_208, %get3A_196, %dot_general3A_215 {dimension_numbers = #tpu.dot_dimension_numbers<[1], [1], [0], [0], [0, 0, 1, 0], [], []>, transpose_lhs_hint = false} : vector<512x31xf32>, vector<8x31xf32>, vector<512x8xf32> -> vector<512x8xf32>
    %dot_general3A_217 = arith.constant dense<0.000000e+00> : vector<512x8xf32>
    %dot_general3A_218 = tpu.matmul %get3A_214, %get3A_202, %dot_general3A_217 {dimension_numbers = #tpu.dot_dimension_numbers<[1], [1], [0], [0], [0, 0, 1, 0], [], []>, transpose_lhs_hint = false} : vector<512x31xf32>, vector<8x31xf32>, vector<512x8xf32> -> vector<512x8xf32>
    %add3A_219 = arith.addf %dot_general3A_216, %dot_general3A_218 : vector<512x8xf32>
    %dot_general3A_220 = arith.constant dense<0.000000e+00> : vector<512x8xf32>
    %dot_general3A_221 = tpu.matmul %get3A_208, %get3A_202, %dot_general3A_220 {dimension_numbers = #tpu.dot_dimension_numbers<[1], [1], [0], [0], [0, 0, 1, 0], [], []>, transpose_lhs_hint = false} : vector<512x31xf32>, vector<8x31xf32>, vector<512x8xf32> -> vector<512x8xf32>
    %dot_general3A_222 = arith.constant dense<0.000000e+00> : vector<512x8xf32>
    %dot_general3A_223 = tpu.matmul %get3A_214, %get3A_196, %dot_general3A_222 {dimension_numbers = #tpu.dot_dimension_numbers<[1], [1], [0], [0], [0, 0, 1, 0], [], []>, transpose_lhs_hint = false} : vector<512x31xf32>, vector<8x31xf32>, vector<512x8xf32> -> vector<512x8xf32>
    %sub3A_224 = arith.subf %dot_general3A_221, %dot_general3A_223 : vector<512x8xf32>
    %mul3A_225 = arith.mulf %get3A_196, %get3A_196 : vector<8x31xf32>
    %mul3A_226 = arith.mulf %get3A_202, %get3A_202 : vector<8x31xf32>
    %add3A_227 = arith.addf %mul3A_225, %mul3A_226 : vector<8x31xf32>
    %dot_general3A_228 = arith.constant dense<0.000000e+00> : vector<1x8xf32>
    %dot_general3A_229 = tpu.matmul %broadcast_in_dim3A_0, %add3A_227, %dot_general3A_228 {dimension_numbers = #tpu.dot_dimension_numbers<[1], [1], [0], [0], [0, 0, 1, 0], [], []>, precision = #tpu.contract_precision<fp32>, transpose_lhs_hint = false} : vector<1x31xf32>, vector<8x31xf32>, vector<1x8xf32> -> vector<1x8xf32>
    %mul3A_230 = arith.mulf %get3A_208, %get3A_208 : vector<512x31xf32>
    %mul3A_231 = arith.mulf %get3A_214, %get3A_214 : vector<512x31xf32>
    %add3A_232 = arith.addf %mul3A_230, %mul3A_231 : vector<512x31xf32>
    %reduce_sum3A_233 = arith.constant dense<0.000000e+00> : vector<512xf32>
    %reduce_sum3A_234 = vector.multi_reduction <add>, %add3A_232, %reduce_sum3A_233 [1] : vector<512x31xf32> to vector<512xf32>
    %broadcast_in_dim3A_235 = vector.shape_cast %reduce_sum3A_234 : vector<512xf32> to vector<512x1xf32>
    %mul3A_236 = arith.mulf %add3A_219, %add3A_219 : vector<512x8xf32>
    %mul3A_237 = arith.mulf %sub3A_224, %sub3A_224 : vector<512x8xf32>
    %add3A_238 = arith.addf %mul3A_236, %mul3A_237 : vector<512x8xf32>
    %mul3A_239 = arith.constant 0.00104058278 : f32
    %mul3A_240 = vector.broadcast %mul3A_239 : f32 to vector<512x8xf32>
    %mul3A_241 = arith.mulf %add3A_238, %mul3A_240 : vector<512x8xf32>
    %mul3A_242 = arith.constant 0.0322580636 : f32
    %mul3A_243 = vector.broadcast %mul3A_242 : f32 to vector<1x8xf32>
    %mul3A_244 = arith.mulf %dot_general3A_229, %mul3A_243 : vector<1x8xf32>
    %mul3A_245 = arith.constant 0.0322580636 : f32
    %mul3A_246 = vector.broadcast %mul3A_245 : f32 to vector<512x1xf32>
    %mul3A_247 = arith.mulf %broadcast_in_dim3A_235, %mul3A_246 : vector<512x1xf32>
    %mul3A_248 = vector.broadcast %mul3A_244 : vector<1x8xf32> to vector<512x8xf32>
    %mul3A_249 = vector.broadcast %mul3A_247 : vector<512x1xf32> to vector<512x8xf32>
    %mul3A_250 = arith.mulf %mul3A_248, %mul3A_249 : vector<512x8xf32>
    %add3A_251 = arith.constant 9.99999996E-13 : f32
    %add3A_252 = vector.broadcast %add3A_251 : f32 to vector<512x8xf32>
    %add3A_253 = arith.addf %mul3A_250, %add3A_252 : vector<512x8xf32>
    %div3A_254 = arith.divf %mul3A_241, %add3A_253 : vector<512x8xf32>
    %add3A_255 = arith.addf %add3A_190, %div3A_254 : vector<512x8xf32>
    %get3A_256 = arith.constant 0 : index
    %get3A_257 = arith.constant 4 : index
    %get3A_258 = arith.constant 0 : index
    %get3A_259 = arith.constant 0 : index
    %get3A_260 = vector.load %arg2[%get3A_256, %get3A_257, %get3A_258, %get3A_259] : memref<1x17x8x31xf32, #tpu.memory_space<vmem>>, vector<1x1x8x31xf32>
    %get3A_261 = vector.shape_cast %get3A_260 : vector<1x1x8x31xf32> to vector<8x31xf32>
    %get3A_262 = arith.constant 0 : index
    %get3A_263 = arith.constant 4 : index
    %get3A_264 = arith.constant 0 : index
    %get3A_265 = arith.constant 0 : index
    %get3A_266 = vector.load %arg3[%get3A_262, %get3A_263, %get3A_264, %get3A_265] : memref<1x17x8x31xf32, #tpu.memory_space<vmem>>, vector<1x1x8x31xf32>
    %get3A_267 = vector.shape_cast %get3A_266 : vector<1x1x8x31xf32> to vector<8x31xf32>
    %get3A_268 = arith.constant 0 : index
    %get3A_269 = arith.constant 4 : index
    %get3A_270 = arith.constant 0 : index
    %get3A_271 = arith.constant 0 : index
    %get3A_272 = vector.load %arg4[%get3A_268, %get3A_269, %get3A_270, %get3A_271] : memref<1x17x512x31xf32, #tpu.memory_space<vmem>>, vector<1x1x512x31xf32>
    %get3A_273 = vector.shape_cast %get3A_272 : vector<1x1x512x31xf32> to vector<512x31xf32>
    %get3A_274 = arith.constant 0 : index
    %get3A_275 = arith.constant 4 : index
    %get3A_276 = arith.constant 0 : index
    %get3A_277 = arith.constant 0 : index
    %get3A_278 = vector.load %arg5[%get3A_274, %get3A_275, %get3A_276, %get3A_277] : memref<1x17x512x31xf32, #tpu.memory_space<vmem>>, vector<1x1x512x31xf32>
    %get3A_279 = vector.shape_cast %get3A_278 : vector<1x1x512x31xf32> to vector<512x31xf32>
    %dot_general3A_280 = arith.constant dense<0.000000e+00> : vector<512x8xf32>
    %dot_general3A_281 = tpu.matmul %get3A_273, %get3A_261, %dot_general3A_280 {dimension_numbers = #tpu.dot_dimension_numbers<[1], [1], [0], [0], [0, 0, 1, 0], [], []>, transpose_lhs_hint = false} : vector<512x31xf32>, vector<8x31xf32>, vector<512x8xf32> -> vector<512x8xf32>
    %dot_general3A_282 = arith.constant dense<0.000000e+00> : vector<512x8xf32>
    %dot_general3A_283 = tpu.matmul %get3A_279, %get3A_267, %dot_general3A_282 {dimension_numbers = #tpu.dot_dimension_numbers<[1], [1], [0], [0], [0, 0, 1, 0], [], []>, transpose_lhs_hint = false} : vector<512x31xf32>, vector<8x31xf32>, vector<512x8xf32> -> vector<512x8xf32>
    %add3A_284 = arith.addf %dot_general3A_281, %dot_general3A_283 : vector<512x8xf32>
    %dot_general3A_285 = arith.constant dense<0.000000e+00> : vector<512x8xf32>
    %dot_general3A_286 = tpu.matmul %get3A_273, %get3A_267, %dot_general3A_285 {dimension_numbers = #tpu.dot_dimension_numbers<[1], [1], [0], [0], [0, 0, 1, 0], [], []>, transpose_lhs_hint = false} : vector<512x31xf32>, vector<8x31xf32>, vector<512x8xf32> -> vector<512x8xf32>
    %dot_general3A_287 = arith.constant dense<0.000000e+00> : vector<512x8xf32>
    %dot_general3A_288 = tpu.matmul %get3A_279, %get3A_261, %dot_general3A_287 {dimension_numbers = #tpu.dot_dimension_numbers<[1], [1], [0], [0], [0, 0, 1, 0], [], []>, transpose_lhs_hint = false} : vector<512x31xf32>, vector<8x31xf32>, vector<512x8xf32> -> vector<512x8xf32>
    %sub3A_289 = arith.subf %dot_general3A_286, %dot_general3A_288 : vector<512x8xf32>
    %mul3A_290 = arith.mulf %get3A_261, %get3A_261 : vector<8x31xf32>
    %mul3A_291 = arith.mulf %get3A_267, %get3A_267 : vector<8x31xf32>
    %add3A_292 = arith.addf %mul3A_290, %mul3A_291 : vector<8x31xf32>
    %dot_general3A_293 = arith.constant dense<0.000000e+00> : vector<1x8xf32>
    %dot_general3A_294 = tpu.matmul %broadcast_in_dim3A_0, %add3A_292, %dot_general3A_293 {dimension_numbers = #tpu.dot_dimension_numbers<[1], [1], [0], [0], [0, 0, 1, 0], [], []>, precision = #tpu.contract_precision<fp32>, transpose_lhs_hint = false} : vector<1x31xf32>, vector<8x31xf32>, vector<1x8xf32> -> vector<1x8xf32>
    %mul3A_295 = arith.mulf %get3A_273, %get3A_273 : vector<512x31xf32>
    %mul3A_296 = arith.mulf %get3A_279, %get3A_279 : vector<512x31xf32>
    %add3A_297 = arith.addf %mul3A_295, %mul3A_296 : vector<512x31xf32>
    %reduce_sum3A_298 = arith.constant dense<0.000000e+00> : vector<512xf32>
    %reduce_sum3A_299 = vector.multi_reduction <add>, %add3A_297, %reduce_sum3A_298 [1] : vector<512x31xf32> to vector<512xf32>
    %broadcast_in_dim3A_300 = vector.shape_cast %reduce_sum3A_299 : vector<512xf32> to vector<512x1xf32>
    %mul3A_301 = arith.mulf %add3A_284, %add3A_284 : vector<512x8xf32>
    %mul3A_302 = arith.mulf %sub3A_289, %sub3A_289 : vector<512x8xf32>
    %add3A_303 = arith.addf %mul3A_301, %mul3A_302 : vector<512x8xf32>
    %mul3A_304 = arith.constant 0.00104058278 : f32
    %mul3A_305 = vector.broadcast %mul3A_304 : f32 to vector<512x8xf32>
    %mul3A_306 = arith.mulf %add3A_303, %mul3A_305 : vector<512x8xf32>
    %mul3A_307 = arith.constant 0.0322580636 : f32
    %mul3A_308 = vector.broadcast %mul3A_307 : f32 to vector<1x8xf32>
    %mul3A_309 = arith.mulf %dot_general3A_294, %mul3A_308 : vector<1x8xf32>
    %mul3A_310 = arith.constant 0.0322580636 : f32
    %mul3A_311 = vector.broadcast %mul3A_310 : f32 to vector<512x1xf32>
    %mul3A_312 = arith.mulf %broadcast_in_dim3A_300, %mul3A_311 : vector<512x1xf32>
    %mul3A_313 = vector.broadcast %mul3A_309 : vector<1x8xf32> to vector<512x8xf32>
    %mul3A_314 = vector.broadcast %mul3A_312 : vector<512x1xf32> to vector<512x8xf32>
    %mul3A_315 = arith.mulf %mul3A_313, %mul3A_314 : vector<512x8xf32>
    %add3A_316 = arith.constant 9.99999996E-13 : f32
    %add3A_317 = vector.broadcast %add3A_316 : f32 to vector<512x8xf32>
    %add3A_318 = arith.addf %mul3A_315, %add3A_317 : vector<512x8xf32>
    %div3A_319 = arith.divf %mul3A_306, %add3A_318 : vector<512x8xf32>
    %add3A_320 = arith.addf %add3A_255, %div3A_319 : vector<512x8xf32>
    %get3A_321 = arith.constant 0 : index
    %get3A_322 = arith.constant 5 : index
    %get3A_323 = arith.constant 0 : index
    %get3A_324 = arith.constant 0 : index
    %get3A_325 = vector.load %arg2[%get3A_321, %get3A_322, %get3A_323, %get3A_324] : memref<1x17x8x31xf32, #tpu.memory_space<vmem>>, vector<1x1x8x31xf32>
    %get3A_326 = vector.shape_cast %get3A_325 : vector<1x1x8x31xf32> to vector<8x31xf32>
    %get3A_327 = arith.constant 0 : index
    %get3A_328 = arith.constant 5 : index
    %get3A_329 = arith.constant 0 : index
    %get3A_330 = arith.constant 0 : index
    %get3A_331 = vector.load %arg3[%get3A_327, %get3A_328, %get3A_329, %get3A_330] : memref<1x17x8x31xf32, #tpu.memory_space<vmem>>, vector<1x1x8x31xf32>
    %get3A_332 = vector.shape_cast %get3A_331 : vector<1x1x8x31xf32> to vector<8x31xf32>
    %get3A_333 = arith.constant 0 : index
    %get3A_334 = arith.constant 5 : index
    %get3A_335 = arith.constant 0 : index
    %get3A_336 = arith.constant 0 : index
    %get3A_337 = vector.load %arg4[%get3A_333, %get3A_334, %get3A_335, %get3A_336] : memref<1x17x512x31xf32, #tpu.memory_space<vmem>>, vector<1x1x512x31xf32>
    %get3A_338 = vector.shape_cast %get3A_337 : vector<1x1x512x31xf32> to vector<512x31xf32>
    %get3A_339 = arith.constant 0 : index
    %get3A_340 = arith.constant 5 : index
    %get3A_341 = arith.constant 0 : index
    %get3A_342 = arith.constant 0 : index
    %get3A_343 = vector.load %arg5[%get3A_339, %get3A_340, %get3A_341, %get3A_342] : memref<1x17x512x31xf32, #tpu.memory_space<vmem>>, vector<1x1x512x31xf32>
    %get3A_344 = vector.shape_cast %get3A_343 : vector<1x1x512x31xf32> to vector<512x31xf32>
    %dot_general3A_345 = arith.constant dense<0.000000e+00> : vector<512x8xf32>
    %dot_general3A_346 = tpu.matmul %get3A_338, %get3A_326, %dot_general3A_345 {dimension_numbers = #tpu.dot_dimension_numbers<[1], [1], [0], [0], [0, 0, 1, 0], [], []>, transpose_lhs_hint = false} : vector<512x31xf32>, vector<8x31xf32>, vector<512x8xf32> -> vector<512x8xf32>
    %dot_general3A_347 = arith.constant dense<0.000000e+00> : vector<512x8xf32>
    %dot_general3A_348 = tpu.matmul %get3A_344, %get3A_332, %dot_general3A_347 {dimension_numbers = #tpu.dot_dimension_numbers<[1], [1], [0], [0], [0, 0, 1, 0], [], []>, transpose_lhs_hint = false} : vector<512x31xf32>, vector<8x31xf32>, vector<512x8xf32> -> vector<512x8xf32>
    %add3A_349 = arith.addf %dot_general3A_346, %dot_general3A_348 : vector<512x8xf32>
    %dot_general3A_350 = arith.constant dense<0.000000e+00> : vector<512x8xf32>
    %dot_general3A_351 = tpu.matmul %get3A_338, %get3A_332, %dot_general3A_350 {dimension_numbers = #tpu.dot_dimension_numbers<[1], [1], [0], [0], [0, 0, 1, 0], [], []>, transpose_lhs_hint = false} : vector<512x31xf32>, vector<8x31xf32>, vector<512x8xf32> -> vector<512x8xf32>
    %dot_general3A_352 = arith.constant dense<0.000000e+00> : vector<512x8xf32>
    %dot_general3A_353 = tpu.matmul %get3A_344, %get3A_326, %dot_general3A_352 {dimension_numbers = #tpu.dot_dimension_numbers<[1], [1], [0], [0], [0, 0, 1, 0], [], []>, transpose_lhs_hint = false} : vector<512x31xf32>, vector<8x31xf32>, vector<512x8xf32> -> vector<512x8xf32>
    %sub3A_354 = arith.subf %dot_general3A_351, %dot_general3A_353 : vector<512x8xf32>
    %mul3A_355 = arith.mulf %get3A_326, %get3A_326 : vector<8x31xf32>
    %mul3A_356 = arith.mulf %get3A_332, %get3A_332 : vector<8x31xf32>
    %add3A_357 = arith.addf %mul3A_355, %mul3A_356 : vector<8x31xf32>
    %dot_general3A_358 = arith.constant dense<0.000000e+00> : vector<1x8xf32>
    %dot_general3A_359 = tpu.matmul %broadcast_in_dim3A_0, %add3A_357, %dot_general3A_358 {dimension_numbers = #tpu.dot_dimension_numbers<[1], [1], [0], [0], [0, 0, 1, 0], [], []>, precision = #tpu.contract_precision<fp32>, transpose_lhs_hint = false} : vector<1x31xf32>, vector<8x31xf32>, vector<1x8xf32> -> vector<1x8xf32>
    %mul3A_360 = arith.mulf %get3A_338, %get3A_338 : vector<512x31xf32>
    %mul3A_361 = arith.mulf %get3A_344, %get3A_344 : vector<512x31xf32>
    %add3A_362 = arith.addf %mul3A_360, %mul3A_361 : vector<512x31xf32>
    %reduce_sum3A_363 = arith.constant dense<0.000000e+00> : vector<512xf32>
    %reduce_sum3A_364 = vector.multi_reduction <add>, %add3A_362, %reduce_sum3A_363 [1] : vector<512x31xf32> to vector<512xf32>
    %broadcast_in_dim3A_365 = vector.shape_cast %reduce_sum3A_364 : vector<512xf32> to vector<512x1xf32>
    %mul3A_366 = arith.mulf %add3A_349, %add3A_349 : vector<512x8xf32>
    %mul3A_367 = arith.mulf %sub3A_354, %sub3A_354 : vector<512x8xf32>
    %add3A_368 = arith.addf %mul3A_366, %mul3A_367 : vector<512x8xf32>
    %mul3A_369 = arith.constant 0.00104058278 : f32
    %mul3A_370 = vector.broadcast %mul3A_369 : f32 to vector<512x8xf32>
    %mul3A_371 = arith.mulf %add3A_368, %mul3A_370 : vector<512x8xf32>
    %mul3A_372 = arith.constant 0.0322580636 : f32
    %mul3A_373 = vector.broadcast %mul3A_372 : f32 to vector<1x8xf32>
    %mul3A_374 = arith.mulf %dot_general3A_359, %mul3A_373 : vector<1x8xf32>
    %mul3A_375 = arith.constant 0.0322580636 : f32
    %mul3A_376 = vector.broadcast %mul3A_375 : f32 to vector<512x1xf32>
    %mul3A_377 = arith.mulf %broadcast_in_dim3A_365, %mul3A_376 : vector<512x1xf32>
    %mul3A_378 = vector.broadcast %mul3A_374 : vector<1x8xf32> to vector<512x8xf32>
    %mul3A_379 = vector.broadcast %mul3A_377 : vector<512x1xf32> to vector<512x8xf32>
    %mul3A_380 = arith.mulf %mul3A_378, %mul3A_379 : vector<512x8xf32>
    %add3A_381 = arith.constant 9.99999996E-13 : f32
    %add3A_382 = vector.broadcast %add3A_381 : f32 to vector<512x8xf32>
    %add3A_383 = arith.addf %mul3A_380, %add3A_382 : vector<512x8xf32>
    %div3A_384 = arith.divf %mul3A_371, %add3A_383 : vector<512x8xf32>
    %add3A_385 = arith.addf %add3A_320, %div3A_384 : vector<512x8xf32>
    %get3A_386 = arith.constant 0 : index
    %get3A_387 = arith.constant 6 : index
    %get3A_388 = arith.constant 0 : index
    %get3A_389 = arith.constant 0 : index
    %get3A_390 = vector.load %arg2[%get3A_386, %get3A_387, %get3A_388, %get3A_389] : memref<1x17x8x31xf32, #tpu.memory_space<vmem>>, vector<1x1x8x31xf32>
    %get3A_391 = vector.shape_cast %get3A_390 : vector<1x1x8x31xf32> to vector<8x31xf32>
    %get3A_392 = arith.constant 0 : index
    %get3A_393 = arith.constant 6 : index
    %get3A_394 = arith.constant 0 : index
    %get3A_395 = arith.constant 0 : index
    %get3A_396 = vector.load %arg3[%get3A_392, %get3A_393, %get3A_394, %get3A_395] : memref<1x17x8x31xf32, #tpu.memory_space<vmem>>, vector<1x1x8x31xf32>
    %get3A_397 = vector.shape_cast %get3A_396 : vector<1x1x8x31xf32> to vector<8x31xf32>
    %get3A_398 = arith.constant 0 : index
    %get3A_399 = arith.constant 6 : index
    %get3A_400 = arith.constant 0 : index
    %get3A_401 = arith.constant 0 : index
    %get3A_402 = vector.load %arg4[%get3A_398, %get3A_399, %get3A_400, %get3A_401] : memref<1x17x512x31xf32, #tpu.memory_space<vmem>>, vector<1x1x512x31xf32>
    %get3A_403 = vector.shape_cast %get3A_402 : vector<1x1x512x31xf32> to vector<512x31xf32>
    %get3A_404 = arith.constant 0 : index
    %get3A_405 = arith.constant 6 : index
    %get3A_406 = arith.constant 0 : index
    %get3A_407 = arith.constant 0 : index
    %get3A_408 = vector.load %arg5[%get3A_404, %get3A_405, %get3A_406, %get3A_407] : memref<1x17x512x31xf32, #tpu.memory_space<vmem>>, vector<1x1x512x31xf32>
    %get3A_409 = vector.shape_cast %get3A_408 : vector<1x1x512x31xf32> to vector<512x31xf32>
    %dot_general3A_410 = arith.constant dense<0.000000e+00> : vector<512x8xf32>
    %dot_general3A_411 = tpu.matmul %get3A_403, %get3A_391, %dot_general3A_410 {dimension_numbers = #tpu.dot_dimension_numbers<[1], [1], [0], [0], [0, 0, 1, 0], [], []>, transpose_lhs_hint = false} : vector<512x31xf32>, vector<8x31xf32>, vector<512x8xf32> -> vector<512x8xf32>
    %dot_general3A_412 = arith.constant dense<0.000000e+00> : vector<512x8xf32>
    %dot_general3A_413 = tpu.matmul %get3A_409, %get3A_397, %dot_general3A_412 {dimension_numbers = #tpu.dot_dimension_numbers<[1], [1], [0], [0], [0, 0, 1, 0], [], []>, transpose_lhs_hint = false} : vector<512x31xf32>, vector<8x31xf32>, vector<512x8xf32> -> vector<512x8xf32>
    %add3A_414 = arith.addf %dot_general3A_411, %dot_general3A_413 : vector<512x8xf32>
    %dot_general3A_415 = arith.constant dense<0.000000e+00> : vector<512x8xf32>
    %dot_general3A_416 = tpu.matmul %get3A_403, %get3A_397, %dot_general3A_415 {dimension_numbers = #tpu.dot_dimension_numbers<[1], [1], [0], [0], [0, 0, 1, 0], [], []>, transpose_lhs_hint = false} : vector<512x31xf32>, vector<8x31xf32>, vector<512x8xf32> -> vector<512x8xf32>
    %dot_general3A_417 = arith.constant dense<0.000000e+00> : vector<512x8xf32>
    %dot_general3A_418 = tpu.matmul %get3A_409, %get3A_391, %dot_general3A_417 {dimension_numbers = #tpu.dot_dimension_numbers<[1], [1], [0], [0], [0, 0, 1, 0], [], []>, transpose_lhs_hint = false} : vector<512x31xf32>, vector<8x31xf32>, vector<512x8xf32> -> vector<512x8xf32>
    %sub3A_419 = arith.subf %dot_general3A_416, %dot_general3A_418 : vector<512x8xf32>
    %mul3A_420 = arith.mulf %get3A_391, %get3A_391 : vector<8x31xf32>
    %mul3A_421 = arith.mulf %get3A_397, %get3A_397 : vector<8x31xf32>
    %add3A_422 = arith.addf %mul3A_420, %mul3A_421 : vector<8x31xf32>
    %dot_general3A_423 = arith.constant dense<0.000000e+00> : vector<1x8xf32>
    %dot_general3A_424 = tpu.matmul %broadcast_in_dim3A_0, %add3A_422, %dot_general3A_423 {dimension_numbers = #tpu.dot_dimension_numbers<[1], [1], [0], [0], [0, 0, 1, 0], [], []>, precision = #tpu.contract_precision<fp32>, transpose_lhs_hint = false} : vector<1x31xf32>, vector<8x31xf32>, vector<1x8xf32> -> vector<1x8xf32>
    %mul3A_425 = arith.mulf %get3A_403, %get3A_403 : vector<512x31xf32>
    %mul3A_426 = arith.mulf %get3A_409, %get3A_409 : vector<512x31xf32>
    %add3A_427 = arith.addf %mul3A_425, %mul3A_426 : vector<512x31xf32>
    %reduce_sum3A_428 = arith.constant dense<0.000000e+00> : vector<512xf32>
    %reduce_sum3A_429 = vector.multi_reduction <add>, %add3A_427, %reduce_sum3A_428 [1] : vector<512x31xf32> to vector<512xf32>
    %broadcast_in_dim3A_430 = vector.shape_cast %reduce_sum3A_429 : vector<512xf32> to vector<512x1xf32>
    %mul3A_431 = arith.mulf %add3A_414, %add3A_414 : vector<512x8xf32>
    %mul3A_432 = arith.mulf %sub3A_419, %sub3A_419 : vector<512x8xf32>
    %add3A_433 = arith.addf %mul3A_431, %mul3A_432 : vector<512x8xf32>
    %mul3A_434 = arith.constant 0.00104058278 : f32
    %mul3A_435 = vector.broadcast %mul3A_434 : f32 to vector<512x8xf32>
    %mul3A_436 = arith.mulf %add3A_433, %mul3A_435 : vector<512x8xf32>
    %mul3A_437 = arith.constant 0.0322580636 : f32
    %mul3A_438 = vector.broadcast %mul3A_437 : f32 to vector<1x8xf32>
    %mul3A_439 = arith.mulf %dot_general3A_424, %mul3A_438 : vector<1x8xf32>
    %mul3A_440 = arith.constant 0.0322580636 : f32
    %mul3A_441 = vector.broadcast %mul3A_440 : f32 to vector<512x1xf32>
    %mul3A_442 = arith.mulf %broadcast_in_dim3A_430, %mul3A_441 : vector<512x1xf32>
    %mul3A_443 = vector.broadcast %mul3A_439 : vector<1x8xf32> to vector<512x8xf32>
    %mul3A_444 = vector.broadcast %mul3A_442 : vector<512x1xf32> to vector<512x8xf32>
    %mul3A_445 = arith.mulf %mul3A_443, %mul3A_444 : vector<512x8xf32>
    %add3A_446 = arith.constant 9.99999996E-13 : f32
    %add3A_447 = vector.broadcast %add3A_446 : f32 to vector<512x8xf32>
    %add3A_448 = arith.addf %mul3A_445, %add3A_447 : vector<512x8xf32>
    %div3A_449 = arith.divf %mul3A_436, %add3A_448 : vector<512x8xf32>
    %add3A_450 = arith.addf %add3A_385, %div3A_449 : vector<512x8xf32>
    %get3A_451 = arith.constant 0 : index
    %get3A_452 = arith.constant 7 : index
    %get3A_453 = arith.constant 0 : index
    %get3A_454 = arith.constant 0 : index
    %get3A_455 = vector.load %arg2[%get3A_451, %get3A_452, %get3A_453, %get3A_454] : memref<1x17x8x31xf32, #tpu.memory_space<vmem>>, vector<1x1x8x31xf32>
    %get3A_456 = vector.shape_cast %get3A_455 : vector<1x1x8x31xf32> to vector<8x31xf32>
    %get3A_457 = arith.constant 0 : index
    %get3A_458 = arith.constant 7 : index
    %get3A_459 = arith.constant 0 : index
    %get3A_460 = arith.constant 0 : index
    %get3A_461 = vector.load %arg3[%get3A_457, %get3A_458, %get3A_459, %get3A_460] : memref<1x17x8x31xf32, #tpu.memory_space<vmem>>, vector<1x1x8x31xf32>
    %get3A_462 = vector.shape_cast %get3A_461 : vector<1x1x8x31xf32> to vector<8x31xf32>
    %get3A_463 = arith.constant 0 : index
    %get3A_464 = arith.constant 7 : index
    %get3A_465 = arith.constant 0 : index
    %get3A_466 = arith.constant 0 : index
    %get3A_467 = vector.load %arg4[%get3A_463, %get3A_464, %get3A_465, %get3A_466] : memref<1x17x512x31xf32, #tpu.memory_space<vmem>>, vector<1x1x512x31xf32>
    %get3A_468 = vector.shape_cast %get3A_467 : vector<1x1x512x31xf32> to vector<512x31xf32>
    %get3A_469 = arith.constant 0 : index
    %get3A_470 = arith.constant 7 : index
    %get3A_471 = arith.constant 0 : index
    %get3A_472 = arith.constant 0 : index
    %get3A_473 = vector.load %arg5[%get3A_469, %get3A_470, %get3A_471, %get3A_472] : memref<1x17x512x31xf32, #tpu.memory_space<vmem>>, vector<1x1x512x31xf32>
    %get3A_474 = vector.shape_cast %get3A_473 : vector<1x1x512x31xf32> to vector<512x31xf32>
    %dot_general3A_475 = arith.constant dense<0.000000e+00> : vector<512x8xf32>
    %dot_general3A_476 = tpu.matmul %get3A_468, %get3A_456, %dot_general3A_475 {dimension_numbers = #tpu.dot_dimension_numbers<[1], [1], [0], [0], [0, 0, 1, 0], [], []>, transpose_lhs_hint = false} : vector<512x31xf32>, vector<8x31xf32>, vector<512x8xf32> -> vector<512x8xf32>
    %dot_general3A_477 = arith.constant dense<0.000000e+00> : vector<512x8xf32>
    %dot_general3A_478 = tpu.matmul %get3A_474, %get3A_462, %dot_general3A_477 {dimension_numbers = #tpu.dot_dimension_numbers<[1], [1], [0], [0], [0, 0, 1, 0], [], []>, transpose_lhs_hint = false} : vector<512x31xf32>, vector<8x31xf32>, vector<512x8xf32> -> vector<512x8xf32>
    %add3A_479 = arith.addf %dot_general3A_476, %dot_general3A_478 : vector<512x8xf32>
    %dot_general3A_480 = arith.constant dense<0.000000e+00> : vector<512x8xf32>
    %dot_general3A_481 = tpu.matmul %get3A_468, %get3A_462, %dot_general3A_480 {dimension_numbers = #tpu.dot_dimension_numbers<[1], [1], [0], [0], [0, 0, 1, 0], [], []>, transpose_lhs_hint = false} : vector<512x31xf32>, vector<8x31xf32>, vector<512x8xf32> -> vector<512x8xf32>
    %dot_general3A_482 = arith.constant dense<0.000000e+00> : vector<512x8xf32>
    %dot_general3A_483 = tpu.matmul %get3A_474, %get3A_456, %dot_general3A_482 {dimension_numbers = #tpu.dot_dimension_numbers<[1], [1], [0], [0], [0, 0, 1, 0], [], []>, transpose_lhs_hint = false} : vector<512x31xf32>, vector<8x31xf32>, vector<512x8xf32> -> vector<512x8xf32>
    %sub3A_484 = arith.subf %dot_general3A_481, %dot_general3A_483 : vector<512x8xf32>
    %mul3A_485 = arith.mulf %get3A_456, %get3A_456 : vector<8x31xf32>
    %mul3A_486 = arith.mulf %get3A_462, %get3A_462 : vector<8x31xf32>
    %add3A_487 = arith.addf %mul3A_485, %mul3A_486 : vector<8x31xf32>
    %dot_general3A_488 = arith.constant dense<0.000000e+00> : vector<1x8xf32>
    %dot_general3A_489 = tpu.matmul %broadcast_in_dim3A_0, %add3A_487, %dot_general3A_488 {dimension_numbers = #tpu.dot_dimension_numbers<[1], [1], [0], [0], [0, 0, 1, 0], [], []>, precision = #tpu.contract_precision<fp32>, transpose_lhs_hint = false} : vector<1x31xf32>, vector<8x31xf32>, vector<1x8xf32> -> vector<1x8xf32>
    %mul3A_490 = arith.mulf %get3A_468, %get3A_468 : vector<512x31xf32>
    %mul3A_491 = arith.mulf %get3A_474, %get3A_474 : vector<512x31xf32>
    %add3A_492 = arith.addf %mul3A_490, %mul3A_491 : vector<512x31xf32>
    %reduce_sum3A_493 = arith.constant dense<0.000000e+00> : vector<512xf32>
    %reduce_sum3A_494 = vector.multi_reduction <add>, %add3A_492, %reduce_sum3A_493 [1] : vector<512x31xf32> to vector<512xf32>
    %broadcast_in_dim3A_495 = vector.shape_cast %reduce_sum3A_494 : vector<512xf32> to vector<512x1xf32>
    %mul3A_496 = arith.mulf %add3A_479, %add3A_479 : vector<512x8xf32>
    %mul3A_497 = arith.mulf %sub3A_484, %sub3A_484 : vector<512x8xf32>
    %add3A_498 = arith.addf %mul3A_496, %mul3A_497 : vector<512x8xf32>
    %mul3A_499 = arith.constant 0.00104058278 : f32
    %mul3A_500 = vector.broadcast %mul3A_499 : f32 to vector<512x8xf32>
    %mul3A_501 = arith.mulf %add3A_498, %mul3A_500 : vector<512x8xf32>
    %mul3A_502 = arith.constant 0.0322580636 : f32
    %mul3A_503 = vector.broadcast %mul3A_502 : f32 to vector<1x8xf32>
    %mul3A_504 = arith.mulf %dot_general3A_489, %mul3A_503 : vector<1x8xf32>
    %mul3A_505 = arith.constant 0.0322580636 : f32
    %mul3A_506 = vector.broadcast %mul3A_505 : f32 to vector<512x1xf32>
    %mul3A_507 = arith.mulf %broadcast_in_dim3A_495, %mul3A_506 : vector<512x1xf32>
    %mul3A_508 = vector.broadcast %mul3A_504 : vector<1x8xf32> to vector<512x8xf32>
    %mul3A_509 = vector.broadcast %mul3A_507 : vector<512x1xf32> to vector<512x8xf32>
    %mul3A_510 = arith.mulf %mul3A_508, %mul3A_509 : vector<512x8xf32>
    %add3A_511 = arith.constant 9.99999996E-13 : f32
    %add3A_512 = vector.broadcast %add3A_511 : f32 to vector<512x8xf32>
    %add3A_513 = arith.addf %mul3A_510, %add3A_512 : vector<512x8xf32>
    %div3A_514 = arith.divf %mul3A_501, %add3A_513 : vector<512x8xf32>
    %add3A_515 = arith.addf %add3A_450, %div3A_514 : vector<512x8xf32>
    %get3A_516 = arith.constant 0 : index
    %get3A_517 = arith.constant 8 : index
    %get3A_518 = arith.constant 0 : index
    %get3A_519 = arith.constant 0 : index
    %get3A_520 = vector.load %arg2[%get3A_516, %get3A_517, %get3A_518, %get3A_519] : memref<1x17x8x31xf32, #tpu.memory_space<vmem>>, vector<1x1x8x31xf32>
    %get3A_521 = vector.shape_cast %get3A_520 : vector<1x1x8x31xf32> to vector<8x31xf32>
    %get3A_522 = arith.constant 0 : index
    %get3A_523 = arith.constant 8 : index
    %get3A_524 = arith.constant 0 : index
    %get3A_525 = arith.constant 0 : index
    %get3A_526 = vector.load %arg3[%get3A_522, %get3A_523, %get3A_524, %get3A_525] : memref<1x17x8x31xf32, #tpu.memory_space<vmem>>, vector<1x1x8x31xf32>
    %get3A_527 = vector.shape_cast %get3A_526 : vector<1x1x8x31xf32> to vector<8x31xf32>
    %get3A_528 = arith.constant 0 : index
    %get3A_529 = arith.constant 8 : index
    %get3A_530 = arith.constant 0 : index
    %get3A_531 = arith.constant 0 : index
    %get3A_532 = vector.load %arg4[%get3A_528, %get3A_529, %get3A_530, %get3A_531] : memref<1x17x512x31xf32, #tpu.memory_space<vmem>>, vector<1x1x512x31xf32>
    %get3A_533 = vector.shape_cast %get3A_532 : vector<1x1x512x31xf32> to vector<512x31xf32>
    %get3A_534 = arith.constant 0 : index
    %get3A_535 = arith.constant 8 : index
    %get3A_536 = arith.constant 0 : index
    %get3A_537 = arith.constant 0 : index
    %get3A_538 = vector.load %arg5[%get3A_534, %get3A_535, %get3A_536, %get3A_537] : memref<1x17x512x31xf32, #tpu.memory_space<vmem>>, vector<1x1x512x31xf32>
    %get3A_539 = vector.shape_cast %get3A_538 : vector<1x1x512x31xf32> to vector<512x31xf32>
    %dot_general3A_540 = arith.constant dense<0.000000e+00> : vector<512x8xf32>
    %dot_general3A_541 = tpu.matmul %get3A_533, %get3A_521, %dot_general3A_540 {dimension_numbers = #tpu.dot_dimension_numbers<[1], [1], [0], [0], [0, 0, 1, 0], [], []>, transpose_lhs_hint = false} : vector<512x31xf32>, vector<8x31xf32>, vector<512x8xf32> -> vector<512x8xf32>
    %dot_general3A_542 = arith.constant dense<0.000000e+00> : vector<512x8xf32>
    %dot_general3A_543 = tpu.matmul %get3A_539, %get3A_527, %dot_general3A_542 {dimension_numbers = #tpu.dot_dimension_numbers<[1], [1], [0], [0], [0, 0, 1, 0], [], []>, transpose_lhs_hint = false} : vector<512x31xf32>, vector<8x31xf32>, vector<512x8xf32> -> vector<512x8xf32>
    %add3A_544 = arith.addf %dot_general3A_541, %dot_general3A_543 : vector<512x8xf32>
    %dot_general3A_545 = arith.constant dense<0.000000e+00> : vector<512x8xf32>
    %dot_general3A_546 = tpu.matmul %get3A_533, %get3A_527, %dot_general3A_545 {dimension_numbers = #tpu.dot_dimension_numbers<[1], [1], [0], [0], [0, 0, 1, 0], [], []>, transpose_lhs_hint = false} : vector<512x31xf32>, vector<8x31xf32>, vector<512x8xf32> -> vector<512x8xf32>
    %dot_general3A_547 = arith.constant dense<0.000000e+00> : vector<512x8xf32>
    %dot_general3A_548 = tpu.matmul %get3A_539, %get3A_521, %dot_general3A_547 {dimension_numbers = #tpu.dot_dimension_numbers<[1], [1], [0], [0], [0, 0, 1, 0], [], []>, transpose_lhs_hint = false} : vector<512x31xf32>, vector<8x31xf32>, vector<512x8xf32> -> vector<512x8xf32>
    %sub3A_549 = arith.subf %dot_general3A_546, %dot_general3A_548 : vector<512x8xf32>
    %mul3A_550 = arith.mulf %get3A_521, %get3A_521 : vector<8x31xf32>
    %mul3A_551 = arith.mulf %get3A_527, %get3A_527 : vector<8x31xf32>
    %add3A_552 = arith.addf %mul3A_550, %mul3A_551 : vector<8x31xf32>
    %dot_general3A_553 = arith.constant dense<0.000000e+00> : vector<1x8xf32>
    %dot_general3A_554 = tpu.matmul %broadcast_in_dim3A_0, %add3A_552, %dot_general3A_553 {dimension_numbers = #tpu.dot_dimension_numbers<[1], [1], [0], [0], [0, 0, 1, 0], [], []>, precision = #tpu.contract_precision<fp32>, transpose_lhs_hint = false} : vector<1x31xf32>, vector<8x31xf32>, vector<1x8xf32> -> vector<1x8xf32>
    %mul3A_555 = arith.mulf %get3A_533, %get3A_533 : vector<512x31xf32>
    %mul3A_556 = arith.mulf %get3A_539, %get3A_539 : vector<512x31xf32>
    %add3A_557 = arith.addf %mul3A_555, %mul3A_556 : vector<512x31xf32>
    %reduce_sum3A_558 = arith.constant dense<0.000000e+00> : vector<512xf32>
    %reduce_sum3A_559 = vector.multi_reduction <add>, %add3A_557, %reduce_sum3A_558 [1] : vector<512x31xf32> to vector<512xf32>
    %broadcast_in_dim3A_560 = vector.shape_cast %reduce_sum3A_559 : vector<512xf32> to vector<512x1xf32>
    %mul3A_561 = arith.mulf %add3A_544, %add3A_544 : vector<512x8xf32>
    %mul3A_562 = arith.mulf %sub3A_549, %sub3A_549 : vector<512x8xf32>
    %add3A_563 = arith.addf %mul3A_561, %mul3A_562 : vector<512x8xf32>
    %mul3A_564 = arith.constant 0.00104058278 : f32
    %mul3A_565 = vector.broadcast %mul3A_564 : f32 to vector<512x8xf32>
    %mul3A_566 = arith.mulf %add3A_563, %mul3A_565 : vector<512x8xf32>
    %mul3A_567 = arith.constant 0.0322580636 : f32
    %mul3A_568 = vector.broadcast %mul3A_567 : f32 to vector<1x8xf32>
    %mul3A_569 = arith.mulf %dot_general3A_554, %mul3A_568 : vector<1x8xf32>
    %mul3A_570 = arith.constant 0.0322580636 : f32
    %mul3A_571 = vector.broadcast %mul3A_570 : f32 to vector<512x1xf32>
    %mul3A_572 = arith.mulf %broadcast_in_dim3A_560, %mul3A_571 : vector<512x1xf32>
    %mul3A_573 = vector.broadcast %mul3A_569 : vector<1x8xf32> to vector<512x8xf32>
    %mul3A_574 = vector.broadcast %mul3A_572 : vector<512x1xf32> to vector<512x8xf32>
    %mul3A_575 = arith.mulf %mul3A_573, %mul3A_574 : vector<512x8xf32>
    %add3A_576 = arith.constant 9.99999996E-13 : f32
    %add3A_577 = vector.broadcast %add3A_576 : f32 to vector<512x8xf32>
    %add3A_578 = arith.addf %mul3A_575, %add3A_577 : vector<512x8xf32>
    %div3A_579 = arith.divf %mul3A_566, %add3A_578 : vector<512x8xf32>
    %add3A_580 = arith.addf %add3A_515, %div3A_579 : vector<512x8xf32>
    %get3A_581 = arith.constant 0 : index
    %get3A_582 = arith.constant 9 : index
    %get3A_583 = arith.constant 0 : index
    %get3A_584 = arith.constant 0 : index
    %get3A_585 = vector.load %arg2[%get3A_581, %get3A_582, %get3A_583, %get3A_584] : memref<1x17x8x31xf32, #tpu.memory_space<vmem>>, vector<1x1x8x31xf32>
    %get3A_586 = vector.shape_cast %get3A_585 : vector<1x1x8x31xf32> to vector<8x31xf32>
    %get3A_587 = arith.constant 0 : index
    %get3A_588 = arith.constant 9 : index
    %get3A_589 = arith.constant 0 : index
    %get3A_590 = arith.constant 0 : index
    %get3A_591 = vector.load %arg3[%get3A_587, %get3A_588, %get3A_589, %get3A_590] : memref<1x17x8x31xf32, #tpu.memory_space<vmem>>, vector<1x1x8x31xf32>
    %get3A_592 = vector.shape_cast %get3A_591 : vector<1x1x8x31xf32> to vector<8x31xf32>
    %get3A_593 = arith.constant 0 : index
    %get3A_594 = arith.constant 9 : index
    %get3A_595 = arith.constant 0 : index
    %get3A_596 = arith.constant 0 : index
    %get3A_597 = vector.load %arg4[%get3A_593, %get3A_594, %get3A_595, %get3A_596] : memref<1x17x512x31xf32, #tpu.memory_space<vmem>>, vector<1x1x512x31xf32>
    %get3A_598 = vector.shape_cast %get3A_597 : vector<1x1x512x31xf32> to vector<512x31xf32>
    %get3A_599 = arith.constant 0 : index
    %get3A_600 = arith.constant 9 : index
    %get3A_601 = arith.constant 0 : index
    %get3A_602 = arith.constant 0 : index
    %get3A_603 = vector.load %arg5[%get3A_599, %get3A_600, %get3A_601, %get3A_602] : memref<1x17x512x31xf32, #tpu.memory_space<vmem>>, vector<1x1x512x31xf32>
    %get3A_604 = vector.shape_cast %get3A_603 : vector<1x1x512x31xf32> to vector<512x31xf32>
    %dot_general3A_605 = arith.constant dense<0.000000e+00> : vector<512x8xf32>
    %dot_general3A_606 = tpu.matmul %get3A_598, %get3A_586, %dot_general3A_605 {dimension_numbers = #tpu.dot_dimension_numbers<[1], [1], [0], [0], [0, 0, 1, 0], [], []>, transpose_lhs_hint = false} : vector<512x31xf32>, vector<8x31xf32>, vector<512x8xf32> -> vector<512x8xf32>
    %dot_general3A_607 = arith.constant dense<0.000000e+00> : vector<512x8xf32>
    %dot_general3A_608 = tpu.matmul %get3A_604, %get3A_592, %dot_general3A_607 {dimension_numbers = #tpu.dot_dimension_numbers<[1], [1], [0], [0], [0, 0, 1, 0], [], []>, transpose_lhs_hint = false} : vector<512x31xf32>, vector<8x31xf32>, vector<512x8xf32> -> vector<512x8xf32>
    %add3A_609 = arith.addf %dot_general3A_606, %dot_general3A_608 : vector<512x8xf32>
    %dot_general3A_610 = arith.constant dense<0.000000e+00> : vector<512x8xf32>
    %dot_general3A_611 = tpu.matmul %get3A_598, %get3A_592, %dot_general3A_610 {dimension_numbers = #tpu.dot_dimension_numbers<[1], [1], [0], [0], [0, 0, 1, 0], [], []>, transpose_lhs_hint = false} : vector<512x31xf32>, vector<8x31xf32>, vector<512x8xf32> -> vector<512x8xf32>
    %dot_general3A_612 = arith.constant dense<0.000000e+00> : vector<512x8xf32>
    %dot_general3A_613 = tpu.matmul %get3A_604, %get3A_586, %dot_general3A_612 {dimension_numbers = #tpu.dot_dimension_numbers<[1], [1], [0], [0], [0, 0, 1, 0], [], []>, transpose_lhs_hint = false} : vector<512x31xf32>, vector<8x31xf32>, vector<512x8xf32> -> vector<512x8xf32>
    %sub3A_614 = arith.subf %dot_general3A_611, %dot_general3A_613 : vector<512x8xf32>
    %mul3A_615 = arith.mulf %get3A_586, %get3A_586 : vector<8x31xf32>
    %mul3A_616 = arith.mulf %get3A_592, %get3A_592 : vector<8x31xf32>
    %add3A_617 = arith.addf %mul3A_615, %mul3A_616 : vector<8x31xf32>
    %dot_general3A_618 = arith.constant dense<0.000000e+00> : vector<1x8xf32>
    %dot_general3A_619 = tpu.matmul %broadcast_in_dim3A_0, %add3A_617, %dot_general3A_618 {dimension_numbers = #tpu.dot_dimension_numbers<[1], [1], [0], [0], [0, 0, 1, 0], [], []>, precision = #tpu.contract_precision<fp32>, transpose_lhs_hint = false} : vector<1x31xf32>, vector<8x31xf32>, vector<1x8xf32> -> vector<1x8xf32>
    %mul3A_620 = arith.mulf %get3A_598, %get3A_598 : vector<512x31xf32>
    %mul3A_621 = arith.mulf %get3A_604, %get3A_604 : vector<512x31xf32>
    %add3A_622 = arith.addf %mul3A_620, %mul3A_621 : vector<512x31xf32>
    %reduce_sum3A_623 = arith.constant dense<0.000000e+00> : vector<512xf32>
    %reduce_sum3A_624 = vector.multi_reduction <add>, %add3A_622, %reduce_sum3A_623 [1] : vector<512x31xf32> to vector<512xf32>
    %broadcast_in_dim3A_625 = vector.shape_cast %reduce_sum3A_624 : vector<512xf32> to vector<512x1xf32>
    %mul3A_626 = arith.mulf %add3A_609, %add3A_609 : vector<512x8xf32>
    %mul3A_627 = arith.mulf %sub3A_614, %sub3A_614 : vector<512x8xf32>
    %add3A_628 = arith.addf %mul3A_626, %mul3A_627 : vector<512x8xf32>
    %mul3A_629 = arith.constant 0.00104058278 : f32
    %mul3A_630 = vector.broadcast %mul3A_629 : f32 to vector<512x8xf32>
    %mul3A_631 = arith.mulf %add3A_628, %mul3A_630 : vector<512x8xf32>
    %mul3A_632 = arith.constant 0.0322580636 : f32
    %mul3A_633 = vector.broadcast %mul3A_632 : f32 to vector<1x8xf32>
    %mul3A_634 = arith.mulf %dot_general3A_619, %mul3A_633 : vector<1x8xf32>
    %mul3A_635 = arith.constant 0.0322580636 : f32
    %mul3A_636 = vector.broadcast %mul3A_635 : f32 to vector<512x1xf32>
    %mul3A_637 = arith.mulf %broadcast_in_dim3A_625, %mul3A_636 : vector<512x1xf32>
    %mul3A_638 = vector.broadcast %mul3A_634 : vector<1x8xf32> to vector<512x8xf32>
    %mul3A_639 = vector.broadcast %mul3A_637 : vector<512x1xf32> to vector<512x8xf32>
    %mul3A_640 = arith.mulf %mul3A_638, %mul3A_639 : vector<512x8xf32>
    %add3A_641 = arith.constant 9.99999996E-13 : f32
    %add3A_642 = vector.broadcast %add3A_641 : f32 to vector<512x8xf32>
    %add3A_643 = arith.addf %mul3A_640, %add3A_642 : vector<512x8xf32>
    %div3A_644 = arith.divf %mul3A_631, %add3A_643 : vector<512x8xf32>
    %add3A_645 = arith.addf %add3A_580, %div3A_644 : vector<512x8xf32>
    %get3A_646 = arith.constant 0 : index
    %get3A_647 = arith.constant 10 : index
    %get3A_648 = arith.constant 0 : index
    %get3A_649 = arith.constant 0 : index
    %get3A_650 = vector.load %arg2[%get3A_646, %get3A_647, %get3A_648, %get3A_649] : memref<1x17x8x31xf32, #tpu.memory_space<vmem>>, vector<1x1x8x31xf32>
    %get3A_651 = vector.shape_cast %get3A_650 : vector<1x1x8x31xf32> to vector<8x31xf32>
    %get3A_652 = arith.constant 0 : index
    %get3A_653 = arith.constant 10 : index
    %get3A_654 = arith.constant 0 : index
    %get3A_655 = arith.constant 0 : index
    %get3A_656 = vector.load %arg3[%get3A_652, %get3A_653, %get3A_654, %get3A_655] : memref<1x17x8x31xf32, #tpu.memory_space<vmem>>, vector<1x1x8x31xf32>
    %get3A_657 = vector.shape_cast %get3A_656 : vector<1x1x8x31xf32> to vector<8x31xf32>
    %get3A_658 = arith.constant 0 : index
    %get3A_659 = arith.constant 10 : index
    %get3A_660 = arith.constant 0 : index
    %get3A_661 = arith.constant 0 : index
    %get3A_662 = vector.load %arg4[%get3A_658, %get3A_659, %get3A_660, %get3A_661] : memref<1x17x512x31xf32, #tpu.memory_space<vmem>>, vector<1x1x512x31xf32>
    %get3A_663 = vector.shape_cast %get3A_662 : vector<1x1x512x31xf32> to vector<512x31xf32>
    %get3A_664 = arith.constant 0 : index
    %get3A_665 = arith.constant 10 : index
    %get3A_666 = arith.constant 0 : index
    %get3A_667 = arith.constant 0 : index
    %get3A_668 = vector.load %arg5[%get3A_664, %get3A_665, %get3A_666, %get3A_667] : memref<1x17x512x31xf32, #tpu.memory_space<vmem>>, vector<1x1x512x31xf32>
    %get3A_669 = vector.shape_cast %get3A_668 : vector<1x1x512x31xf32> to vector<512x31xf32>
    %dot_general3A_670 = arith.constant dense<0.000000e+00> : vector<512x8xf32>
    %dot_general3A_671 = tpu.matmul %get3A_663, %get3A_651, %dot_general3A_670 {dimension_numbers = #tpu.dot_dimension_numbers<[1], [1], [0], [0], [0, 0, 1, 0], [], []>, transpose_lhs_hint = false} : vector<512x31xf32>, vector<8x31xf32>, vector<512x8xf32> -> vector<512x8xf32>
    %dot_general3A_672 = arith.constant dense<0.000000e+00> : vector<512x8xf32>
    %dot_general3A_673 = tpu.matmul %get3A_669, %get3A_657, %dot_general3A_672 {dimension_numbers = #tpu.dot_dimension_numbers<[1], [1], [0], [0], [0, 0, 1, 0], [], []>, transpose_lhs_hint = false} : vector<512x31xf32>, vector<8x31xf32>, vector<512x8xf32> -> vector<512x8xf32>
    %add3A_674 = arith.addf %dot_general3A_671, %dot_general3A_673 : vector<512x8xf32>
    %dot_general3A_675 = arith.constant dense<0.000000e+00> : vector<512x8xf32>
    %dot_general3A_676 = tpu.matmul %get3A_663, %get3A_657, %dot_general3A_675 {dimension_numbers = #tpu.dot_dimension_numbers<[1], [1], [0], [0], [0, 0, 1, 0], [], []>, transpose_lhs_hint = false} : vector<512x31xf32>, vector<8x31xf32>, vector<512x8xf32> -> vector<512x8xf32>
    %dot_general3A_677 = arith.constant dense<0.000000e+00> : vector<512x8xf32>
    %dot_general3A_678 = tpu.matmul %get3A_669, %get3A_651, %dot_general3A_677 {dimension_numbers = #tpu.dot_dimension_numbers<[1], [1], [0], [0], [0, 0, 1, 0], [], []>, transpose_lhs_hint = false} : vector<512x31xf32>, vector<8x31xf32>, vector<512x8xf32> -> vector<512x8xf32>
    %sub3A_679 = arith.subf %dot_general3A_676, %dot_general3A_678 : vector<512x8xf32>
    %mul3A_680 = arith.mulf %get3A_651, %get3A_651 : vector<8x31xf32>
    %mul3A_681 = arith.mulf %get3A_657, %get3A_657 : vector<8x31xf32>
    %add3A_682 = arith.addf %mul3A_680, %mul3A_681 : vector<8x31xf32>
    %dot_general3A_683 = arith.constant dense<0.000000e+00> : vector<1x8xf32>
    %dot_general3A_684 = tpu.matmul %broadcast_in_dim3A_0, %add3A_682, %dot_general3A_683 {dimension_numbers = #tpu.dot_dimension_numbers<[1], [1], [0], [0], [0, 0, 1, 0], [], []>, precision = #tpu.contract_precision<fp32>, transpose_lhs_hint = false} : vector<1x31xf32>, vector<8x31xf32>, vector<1x8xf32> -> vector<1x8xf32>
    %mul3A_685 = arith.mulf %get3A_663, %get3A_663 : vector<512x31xf32>
    %mul3A_686 = arith.mulf %get3A_669, %get3A_669 : vector<512x31xf32>
    %add3A_687 = arith.addf %mul3A_685, %mul3A_686 : vector<512x31xf32>
    %reduce_sum3A_688 = arith.constant dense<0.000000e+00> : vector<512xf32>
    %reduce_sum3A_689 = vector.multi_reduction <add>, %add3A_687, %reduce_sum3A_688 [1] : vector<512x31xf32> to vector<512xf32>
    %broadcast_in_dim3A_690 = vector.shape_cast %reduce_sum3A_689 : vector<512xf32> to vector<512x1xf32>
    %mul3A_691 = arith.mulf %add3A_674, %add3A_674 : vector<512x8xf32>
    %mul3A_692 = arith.mulf %sub3A_679, %sub3A_679 : vector<512x8xf32>
    %add3A_693 = arith.addf %mul3A_691, %mul3A_692 : vector<512x8xf32>
    %mul3A_694 = arith.constant 0.00104058278 : f32
    %mul3A_695 = vector.broadcast %mul3A_694 : f32 to vector<512x8xf32>
    %mul3A_696 = arith.mulf %add3A_693, %mul3A_695 : vector<512x8xf32>
    %mul3A_697 = arith.constant 0.0322580636 : f32
    %mul3A_698 = vector.broadcast %mul3A_697 : f32 to vector<1x8xf32>
    %mul3A_699 = arith.mulf %dot_general3A_684, %mul3A_698 : vector<1x8xf32>
    %mul3A_700 = arith.constant 0.0322580636 : f32
    %mul3A_701 = vector.broadcast %mul3A_700 : f32 to vector<512x1xf32>
    %mul3A_702 = arith.mulf %broadcast_in_dim3A_690, %mul3A_701 : vector<512x1xf32>
    %mul3A_703 = vector.broadcast %mul3A_699 : vector<1x8xf32> to vector<512x8xf32>
    %mul3A_704 = vector.broadcast %mul3A_702 : vector<512x1xf32> to vector<512x8xf32>
    %mul3A_705 = arith.mulf %mul3A_703, %mul3A_704 : vector<512x8xf32>
    %add3A_706 = arith.constant 9.99999996E-13 : f32
    %add3A_707 = vector.broadcast %add3A_706 : f32 to vector<512x8xf32>
    %add3A_708 = arith.addf %mul3A_705, %add3A_707 : vector<512x8xf32>
    %div3A_709 = arith.divf %mul3A_696, %add3A_708 : vector<512x8xf32>
    %add3A_710 = arith.addf %add3A_645, %div3A_709 : vector<512x8xf32>
    %get3A_711 = arith.constant 0 : index
    %get3A_712 = arith.constant 11 : index
    %get3A_713 = arith.constant 0 : index
    %get3A_714 = arith.constant 0 : index
    %get3A_715 = vector.load %arg2[%get3A_711, %get3A_712, %get3A_713, %get3A_714] : memref<1x17x8x31xf32, #tpu.memory_space<vmem>>, vector<1x1x8x31xf32>
    %get3A_716 = vector.shape_cast %get3A_715 : vector<1x1x8x31xf32> to vector<8x31xf32>
    %get3A_717 = arith.constant 0 : index
    %get3A_718 = arith.constant 11 : index
    %get3A_719 = arith.constant 0 : index
    %get3A_720 = arith.constant 0 : index
    %get3A_721 = vector.load %arg3[%get3A_717, %get3A_718, %get3A_719, %get3A_720] : memref<1x17x8x31xf32, #tpu.memory_space<vmem>>, vector<1x1x8x31xf32>
    %get3A_722 = vector.shape_cast %get3A_721 : vector<1x1x8x31xf32> to vector<8x31xf32>
    %get3A_723 = arith.constant 0 : index
    %get3A_724 = arith.constant 11 : index
    %get3A_725 = arith.constant 0 : index
    %get3A_726 = arith.constant 0 : index
    %get3A_727 = vector.load %arg4[%get3A_723, %get3A_724, %get3A_725, %get3A_726] : memref<1x17x512x31xf32, #tpu.memory_space<vmem>>, vector<1x1x512x31xf32>
    %get3A_728 = vector.shape_cast %get3A_727 : vector<1x1x512x31xf32> to vector<512x31xf32>
    %get3A_729 = arith.constant 0 : index
    %get3A_730 = arith.constant 11 : index
    %get3A_731 = arith.constant 0 : index
    %get3A_732 = arith.constant 0 : index
    %get3A_733 = vector.load %arg5[%get3A_729, %get3A_730, %get3A_731, %get3A_732] : memref<1x17x512x31xf32, #tpu.memory_space<vmem>>, vector<1x1x512x31xf32>
    %get3A_734 = vector.shape_cast %get3A_733 : vector<1x1x512x31xf32> to vector<512x31xf32>
    %dot_general3A_735 = arith.constant dense<0.000000e+00> : vector<512x8xf32>
    %dot_general3A_736 = tpu.matmul %get3A_728, %get3A_716, %dot_general3A_735 {dimension_numbers = #tpu.dot_dimension_numbers<[1], [1], [0], [0], [0, 0, 1, 0], [], []>, transpose_lhs_hint = false} : vector<512x31xf32>, vector<8x31xf32>, vector<512x8xf32> -> vector<512x8xf32>
    %dot_general3A_737 = arith.constant dense<0.000000e+00> : vector<512x8xf32>
    %dot_general3A_738 = tpu.matmul %get3A_734, %get3A_722, %dot_general3A_737 {dimension_numbers = #tpu.dot_dimension_numbers<[1], [1], [0], [0], [0, 0, 1, 0], [], []>, transpose_lhs_hint = false} : vector<512x31xf32>, vector<8x31xf32>, vector<512x8xf32> -> vector<512x8xf32>
    %add3A_739 = arith.addf %dot_general3A_736, %dot_general3A_738 : vector<512x8xf32>
    %dot_general3A_740 = arith.constant dense<0.000000e+00> : vector<512x8xf32>
    %dot_general3A_741 = tpu.matmul %get3A_728, %get3A_722, %dot_general3A_740 {dimension_numbers = #tpu.dot_dimension_numbers<[1], [1], [0], [0], [0, 0, 1, 0], [], []>, transpose_lhs_hint = false} : vector<512x31xf32>, vector<8x31xf32>, vector<512x8xf32> -> vector<512x8xf32>
    %dot_general3A_742 = arith.constant dense<0.000000e+00> : vector<512x8xf32>
    %dot_general3A_743 = tpu.matmul %get3A_734, %get3A_716, %dot_general3A_742 {dimension_numbers = #tpu.dot_dimension_numbers<[1], [1], [0], [0], [0, 0, 1, 0], [], []>, transpose_lhs_hint = false} : vector<512x31xf32>, vector<8x31xf32>, vector<512x8xf32> -> vector<512x8xf32>
    %sub3A_744 = arith.subf %dot_general3A_741, %dot_general3A_743 : vector<512x8xf32>
    %mul3A_745 = arith.mulf %get3A_716, %get3A_716 : vector<8x31xf32>
    %mul3A_746 = arith.mulf %get3A_722, %get3A_722 : vector<8x31xf32>
    %add3A_747 = arith.addf %mul3A_745, %mul3A_746 : vector<8x31xf32>
    %dot_general3A_748 = arith.constant dense<0.000000e+00> : vector<1x8xf32>
    %dot_general3A_749 = tpu.matmul %broadcast_in_dim3A_0, %add3A_747, %dot_general3A_748 {dimension_numbers = #tpu.dot_dimension_numbers<[1], [1], [0], [0], [0, 0, 1, 0], [], []>, precision = #tpu.contract_precision<fp32>, transpose_lhs_hint = false} : vector<1x31xf32>, vector<8x31xf32>, vector<1x8xf32> -> vector<1x8xf32>
    %mul3A_750 = arith.mulf %get3A_728, %get3A_728 : vector<512x31xf32>
    %mul3A_751 = arith.mulf %get3A_734, %get3A_734 : vector<512x31xf32>
    %add3A_752 = arith.addf %mul3A_750, %mul3A_751 : vector<512x31xf32>
    %reduce_sum3A_753 = arith.constant dense<0.000000e+00> : vector<512xf32>
    %reduce_sum3A_754 = vector.multi_reduction <add>, %add3A_752, %reduce_sum3A_753 [1] : vector<512x31xf32> to vector<512xf32>
    %broadcast_in_dim3A_755 = vector.shape_cast %reduce_sum3A_754 : vector<512xf32> to vector<512x1xf32>
    %mul3A_756 = arith.mulf %add3A_739, %add3A_739 : vector<512x8xf32>
    %mul3A_757 = arith.mulf %sub3A_744, %sub3A_744 : vector<512x8xf32>
    %add3A_758 = arith.addf %mul3A_756, %mul3A_757 : vector<512x8xf32>
    %mul3A_759 = arith.constant 0.00104058278 : f32
    %mul3A_760 = vector.broadcast %mul3A_759 : f32 to vector<512x8xf32>
    %mul3A_761 = arith.mulf %add3A_758, %mul3A_760 : vector<512x8xf32>
    %mul3A_762 = arith.constant 0.0322580636 : f32
    %mul3A_763 = vector.broadcast %mul3A_762 : f32 to vector<1x8xf32>
    %mul3A_764 = arith.mulf %dot_general3A_749, %mul3A_763 : vector<1x8xf32>
    %mul3A_765 = arith.constant 0.0322580636 : f32
    %mul3A_766 = vector.broadcast %mul3A_765 : f32 to vector<512x1xf32>
    %mul3A_767 = arith.mulf %broadcast_in_dim3A_755, %mul3A_766 : vector<512x1xf32>
    %mul3A_768 = vector.broadcast %mul3A_764 : vector<1x8xf32> to vector<512x8xf32>
    %mul3A_769 = vector.broadcast %mul3A_767 : vector<512x1xf32> to vector<512x8xf32>
    %mul3A_770 = arith.mulf %mul3A_768, %mul3A_769 : vector<512x8xf32>
    %add3A_771 = arith.constant 9.99999996E-13 : f32
    %add3A_772 = vector.broadcast %add3A_771 : f32 to vector<512x8xf32>
    %add3A_773 = arith.addf %mul3A_770, %add3A_772 : vector<512x8xf32>
    %div3A_774 = arith.divf %mul3A_761, %add3A_773 : vector<512x8xf32>
    %add3A_775 = arith.addf %add3A_710, %div3A_774 : vector<512x8xf32>
    %get3A_776 = arith.constant 0 : index
    %get3A_777 = arith.constant 12 : index
    %get3A_778 = arith.constant 0 : index
    %get3A_779 = arith.constant 0 : index
    %get3A_780 = vector.load %arg2[%get3A_776, %get3A_777, %get3A_778, %get3A_779] : memref<1x17x8x31xf32, #tpu.memory_space<vmem>>, vector<1x1x8x31xf32>
    %get3A_781 = vector.shape_cast %get3A_780 : vector<1x1x8x31xf32> to vector<8x31xf32>
    %get3A_782 = arith.constant 0 : index
    %get3A_783 = arith.constant 12 : index
    %get3A_784 = arith.constant 0 : index
    %get3A_785 = arith.constant 0 : index
    %get3A_786 = vector.load %arg3[%get3A_782, %get3A_783, %get3A_784, %get3A_785] : memref<1x17x8x31xf32, #tpu.memory_space<vmem>>, vector<1x1x8x31xf32>
    %get3A_787 = vector.shape_cast %get3A_786 : vector<1x1x8x31xf32> to vector<8x31xf32>
    %get3A_788 = arith.constant 0 : index
    %get3A_789 = arith.constant 12 : index
    %get3A_790 = arith.constant 0 : index
    %get3A_791 = arith.constant 0 : index
    %get3A_792 = vector.load %arg4[%get3A_788, %get3A_789, %get3A_790, %get3A_791] : memref<1x17x512x31xf32, #tpu.memory_space<vmem>>, vector<1x1x512x31xf32>
    %get3A_793 = vector.shape_cast %get3A_792 : vector<1x1x512x31xf32> to vector<512x31xf32>
    %get3A_794 = arith.constant 0 : index
    %get3A_795 = arith.constant 12 : index
    %get3A_796 = arith.constant 0 : index
    %get3A_797 = arith.constant 0 : index
    %get3A_798 = vector.load %arg5[%get3A_794, %get3A_795, %get3A_796, %get3A_797] : memref<1x17x512x31xf32, #tpu.memory_space<vmem>>, vector<1x1x512x31xf32>
    %get3A_799 = vector.shape_cast %get3A_798 : vector<1x1x512x31xf32> to vector<512x31xf32>
    %dot_general3A_800 = arith.constant dense<0.000000e+00> : vector<512x8xf32>
    %dot_general3A_801 = tpu.matmul %get3A_793, %get3A_781, %dot_general3A_800 {dimension_numbers = #tpu.dot_dimension_numbers<[1], [1], [0], [0], [0, 0, 1, 0], [], []>, transpose_lhs_hint = false} : vector<512x31xf32>, vector<8x31xf32>, vector<512x8xf32> -> vector<512x8xf32>
    %dot_general3A_802 = arith.constant dense<0.000000e+00> : vector<512x8xf32>
    %dot_general3A_803 = tpu.matmul %get3A_799, %get3A_787, %dot_general3A_802 {dimension_numbers = #tpu.dot_dimension_numbers<[1], [1], [0], [0], [0, 0, 1, 0], [], []>, transpose_lhs_hint = false} : vector<512x31xf32>, vector<8x31xf32>, vector<512x8xf32> -> vector<512x8xf32>
    %add3A_804 = arith.addf %dot_general3A_801, %dot_general3A_803 : vector<512x8xf32>
    %dot_general3A_805 = arith.constant dense<0.000000e+00> : vector<512x8xf32>
    %dot_general3A_806 = tpu.matmul %get3A_793, %get3A_787, %dot_general3A_805 {dimension_numbers = #tpu.dot_dimension_numbers<[1], [1], [0], [0], [0, 0, 1, 0], [], []>, transpose_lhs_hint = false} : vector<512x31xf32>, vector<8x31xf32>, vector<512x8xf32> -> vector<512x8xf32>
    %dot_general3A_807 = arith.constant dense<0.000000e+00> : vector<512x8xf32>
    %dot_general3A_808 = tpu.matmul %get3A_799, %get3A_781, %dot_general3A_807 {dimension_numbers = #tpu.dot_dimension_numbers<[1], [1], [0], [0], [0, 0, 1, 0], [], []>, transpose_lhs_hint = false} : vector<512x31xf32>, vector<8x31xf32>, vector<512x8xf32> -> vector<512x8xf32>
    %sub3A_809 = arith.subf %dot_general3A_806, %dot_general3A_808 : vector<512x8xf32>
    %mul3A_810 = arith.mulf %get3A_781, %get3A_781 : vector<8x31xf32>
    %mul3A_811 = arith.mulf %get3A_787, %get3A_787 : vector<8x31xf32>
    %add3A_812 = arith.addf %mul3A_810, %mul3A_811 : vector<8x31xf32>
    %dot_general3A_813 = arith.constant dense<0.000000e+00> : vector<1x8xf32>
    %dot_general3A_814 = tpu.matmul %broadcast_in_dim3A_0, %add3A_812, %dot_general3A_813 {dimension_numbers = #tpu.dot_dimension_numbers<[1], [1], [0], [0], [0, 0, 1, 0], [], []>, precision = #tpu.contract_precision<fp32>, transpose_lhs_hint = false} : vector<1x31xf32>, vector<8x31xf32>, vector<1x8xf32> -> vector<1x8xf32>
    %mul3A_815 = arith.mulf %get3A_793, %get3A_793 : vector<512x31xf32>
    %mul3A_816 = arith.mulf %get3A_799, %get3A_799 : vector<512x31xf32>
    %add3A_817 = arith.addf %mul3A_815, %mul3A_816 : vector<512x31xf32>
    %reduce_sum3A_818 = arith.constant dense<0.000000e+00> : vector<512xf32>
    %reduce_sum3A_819 = vector.multi_reduction <add>, %add3A_817, %reduce_sum3A_818 [1] : vector<512x31xf32> to vector<512xf32>
    %broadcast_in_dim3A_820 = vector.shape_cast %reduce_sum3A_819 : vector<512xf32> to vector<512x1xf32>
    %mul3A_821 = arith.mulf %add3A_804, %add3A_804 : vector<512x8xf32>
    %mul3A_822 = arith.mulf %sub3A_809, %sub3A_809 : vector<512x8xf32>
    %add3A_823 = arith.addf %mul3A_821, %mul3A_822 : vector<512x8xf32>
    %mul3A_824 = arith.constant 0.00104058278 : f32
    %mul3A_825 = vector.broadcast %mul3A_824 : f32 to vector<512x8xf32>
    %mul3A_826 = arith.mulf %add3A_823, %mul3A_825 : vector<512x8xf32>
    %mul3A_827 = arith.constant 0.0322580636 : f32
    %mul3A_828 = vector.broadcast %mul3A_827 : f32 to vector<1x8xf32>
    %mul3A_829 = arith.mulf %dot_general3A_814, %mul3A_828 : vector<1x8xf32>
    %mul3A_830 = arith.constant 0.0322580636 : f32
    %mul3A_831 = vector.broadcast %mul3A_830 : f32 to vector<512x1xf32>
    %mul3A_832 = arith.mulf %broadcast_in_dim3A_820, %mul3A_831 : vector<512x1xf32>
    %mul3A_833 = vector.broadcast %mul3A_829 : vector<1x8xf32> to vector<512x8xf32>
    %mul3A_834 = vector.broadcast %mul3A_832 : vector<512x1xf32> to vector<512x8xf32>
    %mul3A_835 = arith.mulf %mul3A_833, %mul3A_834 : vector<512x8xf32>
    %add3A_836 = arith.constant 9.99999996E-13 : f32
    %add3A_837 = vector.broadcast %add3A_836 : f32 to vector<512x8xf32>
    %add3A_838 = arith.addf %mul3A_835, %add3A_837 : vector<512x8xf32>
    %div3A_839 = arith.divf %mul3A_826, %add3A_838 : vector<512x8xf32>
    %add3A_840 = arith.addf %add3A_775, %div3A_839 : vector<512x8xf32>
    %get3A_841 = arith.constant 0 : index
    %get3A_842 = arith.constant 13 : index
    %get3A_843 = arith.constant 0 : index
    %get3A_844 = arith.constant 0 : index
    %get3A_845 = vector.load %arg2[%get3A_841, %get3A_842, %get3A_843, %get3A_844] : memref<1x17x8x31xf32, #tpu.memory_space<vmem>>, vector<1x1x8x31xf32>
    %get3A_846 = vector.shape_cast %get3A_845 : vector<1x1x8x31xf32> to vector<8x31xf32>
    %get3A_847 = arith.constant 0 : index
    %get3A_848 = arith.constant 13 : index
    %get3A_849 = arith.constant 0 : index
    %get3A_850 = arith.constant 0 : index
    %get3A_851 = vector.load %arg3[%get3A_847, %get3A_848, %get3A_849, %get3A_850] : memref<1x17x8x31xf32, #tpu.memory_space<vmem>>, vector<1x1x8x31xf32>
    %get3A_852 = vector.shape_cast %get3A_851 : vector<1x1x8x31xf32> to vector<8x31xf32>
    %get3A_853 = arith.constant 0 : index
    %get3A_854 = arith.constant 13 : index
    %get3A_855 = arith.constant 0 : index
    %get3A_856 = arith.constant 0 : index
    %get3A_857 = vector.load %arg4[%get3A_853, %get3A_854, %get3A_855, %get3A_856] : memref<1x17x512x31xf32, #tpu.memory_space<vmem>>, vector<1x1x512x31xf32>
    %get3A_858 = vector.shape_cast %get3A_857 : vector<1x1x512x31xf32> to vector<512x31xf32>
    %get3A_859 = arith.constant 0 : index
    %get3A_860 = arith.constant 13 : index
    %get3A_861 = arith.constant 0 : index
    %get3A_862 = arith.constant 0 : index
    %get3A_863 = vector.load %arg5[%get3A_859, %get3A_860, %get3A_861, %get3A_862] : memref<1x17x512x31xf32, #tpu.memory_space<vmem>>, vector<1x1x512x31xf32>
    %get3A_864 = vector.shape_cast %get3A_863 : vector<1x1x512x31xf32> to vector<512x31xf32>
    %dot_general3A_865 = arith.constant dense<0.000000e+00> : vector<512x8xf32>
    %dot_general3A_866 = tpu.matmul %get3A_858, %get3A_846, %dot_general3A_865 {dimension_numbers = #tpu.dot_dimension_numbers<[1], [1], [0], [0], [0, 0, 1, 0], [], []>, transpose_lhs_hint = false} : vector<512x31xf32>, vector<8x31xf32>, vector<512x8xf32> -> vector<512x8xf32>
    %dot_general3A_867 = arith.constant dense<0.000000e+00> : vector<512x8xf32>
    %dot_general3A_868 = tpu.matmul %get3A_864, %get3A_852, %dot_general3A_867 {dimension_numbers = #tpu.dot_dimension_numbers<[1], [1], [0], [0], [0, 0, 1, 0], [], []>, transpose_lhs_hint = false} : vector<512x31xf32>, vector<8x31xf32>, vector<512x8xf32> -> vector<512x8xf32>
    %add3A_869 = arith.addf %dot_general3A_866, %dot_general3A_868 : vector<512x8xf32>
    %dot_general3A_870 = arith.constant dense<0.000000e+00> : vector<512x8xf32>
    %dot_general3A_871 = tpu.matmul %get3A_858, %get3A_852, %dot_general3A_870 {dimension_numbers = #tpu.dot_dimension_numbers<[1], [1], [0], [0], [0, 0, 1, 0], [], []>, transpose_lhs_hint = false} : vector<512x31xf32>, vector<8x31xf32>, vector<512x8xf32> -> vector<512x8xf32>
    %dot_general3A_872 = arith.constant dense<0.000000e+00> : vector<512x8xf32>
    %dot_general3A_873 = tpu.matmul %get3A_864, %get3A_846, %dot_general3A_872 {dimension_numbers = #tpu.dot_dimension_numbers<[1], [1], [0], [0], [0, 0, 1, 0], [], []>, transpose_lhs_hint = false} : vector<512x31xf32>, vector<8x31xf32>, vector<512x8xf32> -> vector<512x8xf32>
    %sub3A_874 = arith.subf %dot_general3A_871, %dot_general3A_873 : vector<512x8xf32>
    %mul3A_875 = arith.mulf %get3A_846, %get3A_846 : vector<8x31xf32>
    %mul3A_876 = arith.mulf %get3A_852, %get3A_852 : vector<8x31xf32>
    %add3A_877 = arith.addf %mul3A_875, %mul3A_876 : vector<8x31xf32>
    %dot_general3A_878 = arith.constant dense<0.000000e+00> : vector<1x8xf32>
    %dot_general3A_879 = tpu.matmul %broadcast_in_dim3A_0, %add3A_877, %dot_general3A_878 {dimension_numbers = #tpu.dot_dimension_numbers<[1], [1], [0], [0], [0, 0, 1, 0], [], []>, precision = #tpu.contract_precision<fp32>, transpose_lhs_hint = false} : vector<1x31xf32>, vector<8x31xf32>, vector<1x8xf32> -> vector<1x8xf32>
    %mul3A_880 = arith.mulf %get3A_858, %get3A_858 : vector<512x31xf32>
    %mul3A_881 = arith.mulf %get3A_864, %get3A_864 : vector<512x31xf32>
    %add3A_882 = arith.addf %mul3A_880, %mul3A_881 : vector<512x31xf32>
    %reduce_sum3A_883 = arith.constant dense<0.000000e+00> : vector<512xf32>
    %reduce_sum3A_884 = vector.multi_reduction <add>, %add3A_882, %reduce_sum3A_883 [1] : vector<512x31xf32> to vector<512xf32>
    %broadcast_in_dim3A_885 = vector.shape_cast %reduce_sum3A_884 : vector<512xf32> to vector<512x1xf32>
    %mul3A_886 = arith.mulf %add3A_869, %add3A_869 : vector<512x8xf32>
    %mul3A_887 = arith.mulf %sub3A_874, %sub3A_874 : vector<512x8xf32>
    %add3A_888 = arith.addf %mul3A_886, %mul3A_887 : vector<512x8xf32>
    %mul3A_889 = arith.constant 0.00104058278 : f32
    %mul3A_890 = vector.broadcast %mul3A_889 : f32 to vector<512x8xf32>
    %mul3A_891 = arith.mulf %add3A_888, %mul3A_890 : vector<512x8xf32>
    %mul3A_892 = arith.constant 0.0322580636 : f32
    %mul3A_893 = vector.broadcast %mul3A_892 : f32 to vector<1x8xf32>
    %mul3A_894 = arith.mulf %dot_general3A_879, %mul3A_893 : vector<1x8xf32>
    %mul3A_895 = arith.constant 0.0322580636 : f32
    %mul3A_896 = vector.broadcast %mul3A_895 : f32 to vector<512x1xf32>
    %mul3A_897 = arith.mulf %broadcast_in_dim3A_885, %mul3A_896 : vector<512x1xf32>
    %mul3A_898 = vector.broadcast %mul3A_894 : vector<1x8xf32> to vector<512x8xf32>
    %mul3A_899 = vector.broadcast %mul3A_897 : vector<512x1xf32> to vector<512x8xf32>
    %mul3A_900 = arith.mulf %mul3A_898, %mul3A_899 : vector<512x8xf32>
    %add3A_901 = arith.constant 9.99999996E-13 : f32
    %add3A_902 = vector.broadcast %add3A_901 : f32 to vector<512x8xf32>
    %add3A_903 = arith.addf %mul3A_900, %add3A_902 : vector<512x8xf32>
    %div3A_904 = arith.divf %mul3A_891, %add3A_903 : vector<512x8xf32>
    %add3A_905 = arith.addf %add3A_840, %div3A_904 : vector<512x8xf32>
    %get3A_906 = arith.constant 0 : index
    %get3A_907 = arith.constant 14 : index
    %get3A_908 = arith.constant 0 : index
    %get3A_909 = arith.constant 0 : index
    %get3A_910 = vector.load %arg2[%get3A_906, %get3A_907, %get3A_908, %get3A_909] : memref<1x17x8x31xf32, #tpu.memory_space<vmem>>, vector<1x1x8x31xf32>
    %get3A_911 = vector.shape_cast %get3A_910 : vector<1x1x8x31xf32> to vector<8x31xf32>
    %get3A_912 = arith.constant 0 : index
    %get3A_913 = arith.constant 14 : index
    %get3A_914 = arith.constant 0 : index
    %get3A_915 = arith.constant 0 : index
    %get3A_916 = vector.load %arg3[%get3A_912, %get3A_913, %get3A_914, %get3A_915] : memref<1x17x8x31xf32, #tpu.memory_space<vmem>>, vector<1x1x8x31xf32>
    %get3A_917 = vector.shape_cast %get3A_916 : vector<1x1x8x31xf32> to vector<8x31xf32>
    %get3A_918 = arith.constant 0 : index
    %get3A_919 = arith.constant 14 : index
    %get3A_920 = arith.constant 0 : index
    %get3A_921 = arith.constant 0 : index
    %get3A_922 = vector.load %arg4[%get3A_918, %get3A_919, %get3A_920, %get3A_921] : memref<1x17x512x31xf32, #tpu.memory_space<vmem>>, vector<1x1x512x31xf32>
    %get3A_923 = vector.shape_cast %get3A_922 : vector<1x1x512x31xf32> to vector<512x31xf32>
    %get3A_924 = arith.constant 0 : index
    %get3A_925 = arith.constant 14 : index
    %get3A_926 = arith.constant 0 : index
    %get3A_927 = arith.constant 0 : index
    %get3A_928 = vector.load %arg5[%get3A_924, %get3A_925, %get3A_926, %get3A_927] : memref<1x17x512x31xf32, #tpu.memory_space<vmem>>, vector<1x1x512x31xf32>
    %get3A_929 = vector.shape_cast %get3A_928 : vector<1x1x512x31xf32> to vector<512x31xf32>
    %dot_general3A_930 = arith.constant dense<0.000000e+00> : vector<512x8xf32>
    %dot_general3A_931 = tpu.matmul %get3A_923, %get3A_911, %dot_general3A_930 {dimension_numbers = #tpu.dot_dimension_numbers<[1], [1], [0], [0], [0, 0, 1, 0], [], []>, transpose_lhs_hint = false} : vector<512x31xf32>, vector<8x31xf32>, vector<512x8xf32> -> vector<512x8xf32>
    %dot_general3A_932 = arith.constant dense<0.000000e+00> : vector<512x8xf32>
    %dot_general3A_933 = tpu.matmul %get3A_929, %get3A_917, %dot_general3A_932 {dimension_numbers = #tpu.dot_dimension_numbers<[1], [1], [0], [0], [0, 0, 1, 0], [], []>, transpose_lhs_hint = false} : vector<512x31xf32>, vector<8x31xf32>, vector<512x8xf32> -> vector<512x8xf32>
    %add3A_934 = arith.addf %dot_general3A_931, %dot_general3A_933 : vector<512x8xf32>
    %dot_general3A_935 = arith.constant dense<0.000000e+00> : vector<512x8xf32>
    %dot_general3A_936 = tpu.matmul %get3A_923, %get3A_917, %dot_general3A_935 {dimension_numbers = #tpu.dot_dimension_numbers<[1], [1], [0], [0], [0, 0, 1, 0], [], []>, transpose_lhs_hint = false} : vector<512x31xf32>, vector<8x31xf32>, vector<512x8xf32> -> vector<512x8xf32>
    %dot_general3A_937 = arith.constant dense<0.000000e+00> : vector<512x8xf32>
    %dot_general3A_938 = tpu.matmul %get3A_929, %get3A_911, %dot_general3A_937 {dimension_numbers = #tpu.dot_dimension_numbers<[1], [1], [0], [0], [0, 0, 1, 0], [], []>, transpose_lhs_hint = false} : vector<512x31xf32>, vector<8x31xf32>, vector<512x8xf32> -> vector<512x8xf32>
    %sub3A_939 = arith.subf %dot_general3A_936, %dot_general3A_938 : vector<512x8xf32>
    %mul3A_940 = arith.mulf %get3A_911, %get3A_911 : vector<8x31xf32>
    %mul3A_941 = arith.mulf %get3A_917, %get3A_917 : vector<8x31xf32>
    %add3A_942 = arith.addf %mul3A_940, %mul3A_941 : vector<8x31xf32>
    %dot_general3A_943 = arith.constant dense<0.000000e+00> : vector<1x8xf32>
    %dot_general3A_944 = tpu.matmul %broadcast_in_dim3A_0, %add3A_942, %dot_general3A_943 {dimension_numbers = #tpu.dot_dimension_numbers<[1], [1], [0], [0], [0, 0, 1, 0], [], []>, precision = #tpu.contract_precision<fp32>, transpose_lhs_hint = false} : vector<1x31xf32>, vector<8x31xf32>, vector<1x8xf32> -> vector<1x8xf32>
    %mul3A_945 = arith.mulf %get3A_923, %get3A_923 : vector<512x31xf32>
    %mul3A_946 = arith.mulf %get3A_929, %get3A_929 : vector<512x31xf32>
    %add3A_947 = arith.addf %mul3A_945, %mul3A_946 : vector<512x31xf32>
    %reduce_sum3A_948 = arith.constant dense<0.000000e+00> : vector<512xf32>
    %reduce_sum3A_949 = vector.multi_reduction <add>, %add3A_947, %reduce_sum3A_948 [1] : vector<512x31xf32> to vector<512xf32>
    %broadcast_in_dim3A_950 = vector.shape_cast %reduce_sum3A_949 : vector<512xf32> to vector<512x1xf32>
    %mul3A_951 = arith.mulf %add3A_934, %add3A_934 : vector<512x8xf32>
    %mul3A_952 = arith.mulf %sub3A_939, %sub3A_939 : vector<512x8xf32>
    %add3A_953 = arith.addf %mul3A_951, %mul3A_952 : vector<512x8xf32>
    %mul3A_954 = arith.constant 0.00104058278 : f32
    %mul3A_955 = vector.broadcast %mul3A_954 : f32 to vector<512x8xf32>
    %mul3A_956 = arith.mulf %add3A_953, %mul3A_955 : vector<512x8xf32>
    %mul3A_957 = arith.constant 0.0322580636 : f32
    %mul3A_958 = vector.broadcast %mul3A_957 : f32 to vector<1x8xf32>
    %mul3A_959 = arith.mulf %dot_general3A_944, %mul3A_958 : vector<1x8xf32>
    %mul3A_960 = arith.constant 0.0322580636 : f32
    %mul3A_961 = vector.broadcast %mul3A_960 : f32 to vector<512x1xf32>
    %mul3A_962 = arith.mulf %broadcast_in_dim3A_950, %mul3A_961 : vector<512x1xf32>
    %mul3A_963 = vector.broadcast %mul3A_959 : vector<1x8xf32> to vector<512x8xf32>
    %mul3A_964 = vector.broadcast %mul3A_962 : vector<512x1xf32> to vector<512x8xf32>
    %mul3A_965 = arith.mulf %mul3A_963, %mul3A_964 : vector<512x8xf32>
    %add3A_966 = arith.constant 9.99999996E-13 : f32
    %add3A_967 = vector.broadcast %add3A_966 : f32 to vector<512x8xf32>
    %add3A_968 = arith.addf %mul3A_965, %add3A_967 : vector<512x8xf32>
    %div3A_969 = arith.divf %mul3A_956, %add3A_968 : vector<512x8xf32>
    %add3A_970 = arith.addf %add3A_905, %div3A_969 : vector<512x8xf32>
    %get3A_971 = arith.constant 0 : index
    %get3A_972 = arith.constant 15 : index
    %get3A_973 = arith.constant 0 : index
    %get3A_974 = arith.constant 0 : index
    %get3A_975 = vector.load %arg2[%get3A_971, %get3A_972, %get3A_973, %get3A_974] : memref<1x17x8x31xf32, #tpu.memory_space<vmem>>, vector<1x1x8x31xf32>
    %get3A_976 = vector.shape_cast %get3A_975 : vector<1x1x8x31xf32> to vector<8x31xf32>
    %get3A_977 = arith.constant 0 : index
    %get3A_978 = arith.constant 15 : index
    %get3A_979 = arith.constant 0 : index
    %get3A_980 = arith.constant 0 : index
    %get3A_981 = vector.load %arg3[%get3A_977, %get3A_978, %get3A_979, %get3A_980] : memref<1x17x8x31xf32, #tpu.memory_space<vmem>>, vector<1x1x8x31xf32>
    %get3A_982 = vector.shape_cast %get3A_981 : vector<1x1x8x31xf32> to vector<8x31xf32>
    %get3A_983 = arith.constant 0 : index
    %get3A_984 = arith.constant 15 : index
    %get3A_985 = arith.constant 0 : index
    %get3A_986 = arith.constant 0 : index
    %get3A_987 = vector.load %arg4[%get3A_983, %get3A_984, %get3A_985, %get3A_986] : memref<1x17x512x31xf32, #tpu.memory_space<vmem>>, vector<1x1x512x31xf32>
    %get3A_988 = vector.shape_cast %get3A_987 : vector<1x1x512x31xf32> to vector<512x31xf32>
    %get3A_989 = arith.constant 0 : index
    %get3A_990 = arith.constant 15 : index
    %get3A_991 = arith.constant 0 : index
    %get3A_992 = arith.constant 0 : index
    %get3A_993 = vector.load %arg5[%get3A_989, %get3A_990, %get3A_991, %get3A_992] : memref<1x17x512x31xf32, #tpu.memory_space<vmem>>, vector<1x1x512x31xf32>
    %get3A_994 = vector.shape_cast %get3A_993 : vector<1x1x512x31xf32> to vector<512x31xf32>
    %dot_general3A_995 = arith.constant dense<0.000000e+00> : vector<512x8xf32>
    %dot_general3A_996 = tpu.matmul %get3A_988, %get3A_976, %dot_general3A_995 {dimension_numbers = #tpu.dot_dimension_numbers<[1], [1], [0], [0], [0, 0, 1, 0], [], []>, transpose_lhs_hint = false} : vector<512x31xf32>, vector<8x31xf32>, vector<512x8xf32> -> vector<512x8xf32>
    %dot_general3A_997 = arith.constant dense<0.000000e+00> : vector<512x8xf32>
    %dot_general3A_998 = tpu.matmul %get3A_994, %get3A_982, %dot_general3A_997 {dimension_numbers = #tpu.dot_dimension_numbers<[1], [1], [0], [0], [0, 0, 1, 0], [], []>, transpose_lhs_hint = false} : vector<512x31xf32>, vector<8x31xf32>, vector<512x8xf32> -> vector<512x8xf32>
    %add3A_999 = arith.addf %dot_general3A_996, %dot_general3A_998 : vector<512x8xf32>
    %dot_general3A_1000 = arith.constant dense<0.000000e+00> : vector<512x8xf32>
    %dot_general3A_1001 = tpu.matmul %get3A_988, %get3A_982, %dot_general3A_1000 {dimension_numbers = #tpu.dot_dimension_numbers<[1], [1], [0], [0], [0, 0, 1, 0], [], []>, transpose_lhs_hint = false} : vector<512x31xf32>, vector<8x31xf32>, vector<512x8xf32> -> vector<512x8xf32>
    %dot_general3A_1002 = arith.constant dense<0.000000e+00> : vector<512x8xf32>
    %dot_general3A_1003 = tpu.matmul %get3A_994, %get3A_976, %dot_general3A_1002 {dimension_numbers = #tpu.dot_dimension_numbers<[1], [1], [0], [0], [0, 0, 1, 0], [], []>, transpose_lhs_hint = false} : vector<512x31xf32>, vector<8x31xf32>, vector<512x8xf32> -> vector<512x8xf32>
    %sub3A_1004 = arith.subf %dot_general3A_1001, %dot_general3A_1003 : vector<512x8xf32>
    %mul3A_1005 = arith.mulf %get3A_976, %get3A_976 : vector<8x31xf32>
    %mul3A_1006 = arith.mulf %get3A_982, %get3A_982 : vector<8x31xf32>
    %add3A_1007 = arith.addf %mul3A_1005, %mul3A_1006 : vector<8x31xf32>
    %dot_general3A_1008 = arith.constant dense<0.000000e+00> : vector<1x8xf32>
    %dot_general3A_1009 = tpu.matmul %broadcast_in_dim3A_0, %add3A_1007, %dot_general3A_1008 {dimension_numbers = #tpu.dot_dimension_numbers<[1], [1], [0], [0], [0, 0, 1, 0], [], []>, precision = #tpu.contract_precision<fp32>, transpose_lhs_hint = false} : vector<1x31xf32>, vector<8x31xf32>, vector<1x8xf32> -> vector<1x8xf32>
    %mul3A_1010 = arith.mulf %get3A_988, %get3A_988 : vector<512x31xf32>
    %mul3A_1011 = arith.mulf %get3A_994, %get3A_994 : vector<512x31xf32>
    %add3A_1012 = arith.addf %mul3A_1010, %mul3A_1011 : vector<512x31xf32>
    %reduce_sum3A_1013 = arith.constant dense<0.000000e+00> : vector<512xf32>
    %reduce_sum3A_1014 = vector.multi_reduction <add>, %add3A_1012, %reduce_sum3A_1013 [1] : vector<512x31xf32> to vector<512xf32>
    %broadcast_in_dim3A_1015 = vector.shape_cast %reduce_sum3A_1014 : vector<512xf32> to vector<512x1xf32>
    %mul3A_1016 = arith.mulf %add3A_999, %add3A_999 : vector<512x8xf32>
    %mul3A_1017 = arith.mulf %sub3A_1004, %sub3A_1004 : vector<512x8xf32>
    %add3A_1018 = arith.addf %mul3A_1016, %mul3A_1017 : vector<512x8xf32>
    %mul3A_1019 = arith.constant 0.00104058278 : f32
    %mul3A_1020 = vector.broadcast %mul3A_1019 : f32 to vector<512x8xf32>
    %mul3A_1021 = arith.mulf %add3A_1018, %mul3A_1020 : vector<512x8xf32>
    %mul3A_1022 = arith.constant 0.0322580636 : f32
    %mul3A_1023 = vector.broadcast %mul3A_1022 : f32 to vector<1x8xf32>
    %mul3A_1024 = arith.mulf %dot_general3A_1009, %mul3A_1023 : vector<1x8xf32>
    %mul3A_1025 = arith.constant 0.0322580636 : f32
    %mul3A_1026 = vector.broadcast %mul3A_1025 : f32 to vector<512x1xf32>
    %mul3A_1027 = arith.mulf %broadcast_in_dim3A_1015, %mul3A_1026 : vector<512x1xf32>
    %mul3A_1028 = vector.broadcast %mul3A_1024 : vector<1x8xf32> to vector<512x8xf32>
    %mul3A_1029 = vector.broadcast %mul3A_1027 : vector<512x1xf32> to vector<512x8xf32>
    %mul3A_1030 = arith.mulf %mul3A_1028, %mul3A_1029 : vector<512x8xf32>
    %add3A_1031 = arith.constant 9.99999996E-13 : f32
    %add3A_1032 = vector.broadcast %add3A_1031 : f32 to vector<512x8xf32>
    %add3A_1033 = arith.addf %mul3A_1030, %add3A_1032 : vector<512x8xf32>
    %div3A_1034 = arith.divf %mul3A_1021, %add3A_1033 : vector<512x8xf32>
    %add3A_1035 = arith.addf %add3A_970, %div3A_1034 : vector<512x8xf32>
    %get3A_1036 = arith.constant 0 : index
    %get3A_1037 = arith.constant 16 : index
    %get3A_1038 = arith.constant 0 : index
    %get3A_1039 = arith.constant 0 : index
    %get3A_1040 = vector.load %arg2[%get3A_1036, %get3A_1037, %get3A_1038, %get3A_1039] : memref<1x17x8x31xf32, #tpu.memory_space<vmem>>, vector<1x1x8x31xf32>
    %get3A_1041 = vector.shape_cast %get3A_1040 : vector<1x1x8x31xf32> to vector<8x31xf32>
    %get3A_1042 = arith.constant 0 : index
    %get3A_1043 = arith.constant 16 : index
    %get3A_1044 = arith.constant 0 : index
    %get3A_1045 = arith.constant 0 : index
    %get3A_1046 = vector.load %arg3[%get3A_1042, %get3A_1043, %get3A_1044, %get3A_1045] : memref<1x17x8x31xf32, #tpu.memory_space<vmem>>, vector<1x1x8x31xf32>
    %get3A_1047 = vector.shape_cast %get3A_1046 : vector<1x1x8x31xf32> to vector<8x31xf32>
    %get3A_1048 = arith.constant 0 : index
    %get3A_1049 = arith.constant 16 : index
    %get3A_1050 = arith.constant 0 : index
    %get3A_1051 = arith.constant 0 : index
    %get3A_1052 = vector.load %arg4[%get3A_1048, %get3A_1049, %get3A_1050, %get3A_1051] : memref<1x17x512x31xf32, #tpu.memory_space<vmem>>, vector<1x1x512x31xf32>
    %get3A_1053 = vector.shape_cast %get3A_1052 : vector<1x1x512x31xf32> to vector<512x31xf32>
    %get3A_1054 = arith.constant 0 : index
    %get3A_1055 = arith.constant 16 : index
    %get3A_1056 = arith.constant 0 : index
    %get3A_1057 = arith.constant 0 : index
    %get3A_1058 = vector.load %arg5[%get3A_1054, %get3A_1055, %get3A_1056, %get3A_1057] : memref<1x17x512x31xf32, #tpu.memory_space<vmem>>, vector<1x1x512x31xf32>
    %get3A_1059 = vector.shape_cast %get3A_1058 : vector<1x1x512x31xf32> to vector<512x31xf32>
    %dot_general3A_1060 = arith.constant dense<0.000000e+00> : vector<512x8xf32>
    %dot_general3A_1061 = tpu.matmul %get3A_1053, %get3A_1041, %dot_general3A_1060 {dimension_numbers = #tpu.dot_dimension_numbers<[1], [1], [0], [0], [0, 0, 1, 0], [], []>, transpose_lhs_hint = false} : vector<512x31xf32>, vector<8x31xf32>, vector<512x8xf32> -> vector<512x8xf32>
    %dot_general3A_1062 = arith.constant dense<0.000000e+00> : vector<512x8xf32>
    %dot_general3A_1063 = tpu.matmul %get3A_1059, %get3A_1047, %dot_general3A_1062 {dimension_numbers = #tpu.dot_dimension_numbers<[1], [1], [0], [0], [0, 0, 1, 0], [], []>, transpose_lhs_hint = false} : vector<512x31xf32>, vector<8x31xf32>, vector<512x8xf32> -> vector<512x8xf32>
    %add3A_1064 = arith.addf %dot_general3A_1061, %dot_general3A_1063 : vector<512x8xf32>
    %dot_general3A_1065 = arith.constant dense<0.000000e+00> : vector<512x8xf32>
    %dot_general3A_1066 = tpu.matmul %get3A_1053, %get3A_1047, %dot_general3A_1065 {dimension_numbers = #tpu.dot_dimension_numbers<[1], [1], [0], [0], [0, 0, 1, 0], [], []>, transpose_lhs_hint = false} : vector<512x31xf32>, vector<8x31xf32>, vector<512x8xf32> -> vector<512x8xf32>
    %dot_general3A_1067 = arith.constant dense<0.000000e+00> : vector<512x8xf32>
    %dot_general3A_1068 = tpu.matmul %get3A_1059, %get3A_1041, %dot_general3A_1067 {dimension_numbers = #tpu.dot_dimension_numbers<[1], [1], [0], [0], [0, 0, 1, 0], [], []>, transpose_lhs_hint = false} : vector<512x31xf32>, vector<8x31xf32>, vector<512x8xf32> -> vector<512x8xf32>
    %sub3A_1069 = arith.subf %dot_general3A_1066, %dot_general3A_1068 : vector<512x8xf32>
    %mul3A_1070 = arith.mulf %get3A_1041, %get3A_1041 : vector<8x31xf32>
    %mul3A_1071 = arith.mulf %get3A_1047, %get3A_1047 : vector<8x31xf32>
    %add3A_1072 = arith.addf %mul3A_1070, %mul3A_1071 : vector<8x31xf32>
    %dot_general3A_1073 = arith.constant dense<0.000000e+00> : vector<1x8xf32>
    %dot_general3A_1074 = tpu.matmul %broadcast_in_dim3A_0, %add3A_1072, %dot_general3A_1073 {dimension_numbers = #tpu.dot_dimension_numbers<[1], [1], [0], [0], [0, 0, 1, 0], [], []>, precision = #tpu.contract_precision<fp32>, transpose_lhs_hint = false} : vector<1x31xf32>, vector<8x31xf32>, vector<1x8xf32> -> vector<1x8xf32>
    %mul3A_1075 = arith.mulf %get3A_1053, %get3A_1053 : vector<512x31xf32>
    %mul3A_1076 = arith.mulf %get3A_1059, %get3A_1059 : vector<512x31xf32>
    %add3A_1077 = arith.addf %mul3A_1075, %mul3A_1076 : vector<512x31xf32>
    %reduce_sum3A_1078 = arith.constant dense<0.000000e+00> : vector<512xf32>
    %reduce_sum3A_1079 = vector.multi_reduction <add>, %add3A_1077, %reduce_sum3A_1078 [1] : vector<512x31xf32> to vector<512xf32>
    %broadcast_in_dim3A_1080 = vector.shape_cast %reduce_sum3A_1079 : vector<512xf32> to vector<512x1xf32>
    %mul3A_1081 = arith.mulf %add3A_1064, %add3A_1064 : vector<512x8xf32>
    %mul3A_1082 = arith.mulf %sub3A_1069, %sub3A_1069 : vector<512x8xf32>
    %add3A_1083 = arith.addf %mul3A_1081, %mul3A_1082 : vector<512x8xf32>
    %mul3A_1084 = arith.constant 0.00104058278 : f32
    %mul3A_1085 = vector.broadcast %mul3A_1084 : f32 to vector<512x8xf32>
    %mul3A_1086 = arith.mulf %add3A_1083, %mul3A_1085 : vector<512x8xf32>
    %mul3A_1087 = arith.constant 0.0322580636 : f32
    %mul3A_1088 = vector.broadcast %mul3A_1087 : f32 to vector<1x8xf32>
    %mul3A_1089 = arith.mulf %dot_general3A_1074, %mul3A_1088 : vector<1x8xf32>
    %mul3A_1090 = arith.constant 0.0322580636 : f32
    %mul3A_1091 = vector.broadcast %mul3A_1090 : f32 to vector<512x1xf32>
    %mul3A_1092 = arith.mulf %broadcast_in_dim3A_1080, %mul3A_1091 : vector<512x1xf32>
    %mul3A_1093 = vector.broadcast %mul3A_1089 : vector<1x8xf32> to vector<512x8xf32>
    %mul3A_1094 = vector.broadcast %mul3A_1092 : vector<512x1xf32> to vector<512x8xf32>
    %mul3A_1095 = arith.mulf %mul3A_1093, %mul3A_1094 : vector<512x8xf32>
    %add3A_1096 = arith.constant 9.99999996E-13 : f32
    %add3A_1097 = vector.broadcast %add3A_1096 : f32 to vector<512x8xf32>
    %add3A_1098 = arith.addf %mul3A_1095, %add3A_1097 : vector<512x8xf32>
    %div3A_1099 = arith.divf %mul3A_1086, %add3A_1098 : vector<512x8xf32>
    %add3A_1100 = arith.addf %add3A_1035, %div3A_1099 : vector<512x8xf32>
    %mul3A_1101 = arith.constant 0.0588235296 : f32
    %mul3A_1102 = vector.broadcast %mul3A_1101 : f32 to vector<512x8xf32>
    %mul3A_1103 = arith.mulf %add3A_1100, %mul3A_1102 : vector<512x8xf32>
    %swap3A = arith.constant 0 : index
    %swap3A_1104 = arith.constant 0 : index
    %swap3A_1105 = arith.constant 0 : index
    %swap3A_1106 = vector.load %arg6[%swap3A, %swap3A_1104, %swap3A_1105] : memref<1x512x8xf32, #tpu.memory_space<vmem>>, vector<1x512x8xf32>
    %swap3A_1107 = vector.shape_cast %swap3A_1106 : vector<1x512x8xf32> to vector<512x8xf32>
    %swap3A_1108 = vector.shape_cast %mul3A_1103 : vector<512x8xf32> to vector<1x512x8xf32>
    tpu.vector_store %arg6[%swap3A, %swap3A_1104, %swap3A_1105], %swap3A_1108 {strides = array<i32>} : memref<1x512x8xf32, #tpu.memory_space<vmem>>, vector<1x512x8xf32>,
    return
  }
  func.func @transform_0(%arg0: i32, %arg1: i32) -> (i32, i32, i32, i32) {
    %c0_i32 = arith.constant 0 : i32
    %c0_i32_0 = arith.constant 0 : i32
    %c0_i32_1 = arith.constant 0 : i32
    %c0_i32_2 = arith.constant 0 : i32
    return %arg0, %c0_i32, %c0_i32_0, %c0_i32_1 : i32, i32, i32, i32
  }
  func.func @transform_1(%arg0: i32, %arg1: i32) -> (i32, i32, i32, i32) {
    %c0_i32 = arith.constant 0 : i32
    %c0_i32_0 = arith.constant 0 : i32
    %c0_i32_1 = arith.constant 0 : i32
    %c0_i32_2 = arith.constant 0 : i32
    return %arg0, %c0_i32, %c0_i32_0, %c0_i32_1 : i32, i32, i32, i32
  }
  func.func @transform_2(%arg0: i32, %arg1: i32) -> (i32, i32, i32, i32) {
    %c0_i32 = arith.constant 0 : i32
    %c0_i32_0 = arith.constant 0 : i32
    %c0_i32_1 = arith.constant 0 : i32
    return %arg0, %c0_i32, %arg1, %c0_i32_0 : i32, i32, i32, i32
  }
  func.func @transform_3(%arg0: i32, %arg1: i32) -> (i32, i32, i32, i32) {
    %c0_i32 = arith.constant 0 : i32
    %c0_i32_0 = arith.constant 0 : i32
    %c0_i32_1 = arith.constant 0 : i32
    return %arg0, %c0_i32, %arg1, %c0_i32_0 : i32, i32, i32, i32
  }
  func.func @transform_4(%arg0: i32, %arg1: i32) -> (i32, i32, i32) {
    %c0_i32 = arith.constant 0 : i32
    %c0_i32_0 = arith.constant 0 : i32
    return %arg0, %arg1, %c0_i32 : i32, i32, i32
  }
}

module attributes {stable_mosaic.version = 14 : i64} {
  func.func @_topk_body(%arg0: i32, %arg1: memref<1x4096x8xf32, #tpu.memory_space<vmem>>, %arg2: memref<1x16x8xi32, #tpu.memory_space<vmem>>) attributes {dimension_semantics = [#tpu.dimension_semantics<arbitrary>], iteration_bounds = array<i64: 4>, scalar_prefetch = 0 : i64, scratch_operands = 0 : i64, tpu.core_type = #tpu.core_type<tc>, window_params = [{transform_indices = @transform_0, window_bounds = array<i64: 1, 4096, 8>}, {transform_indices = @transform_1, window_bounds = array<i64: 1, 16, 8>}]} {
    %get3A = arith.constant 0 : index
    %get3A_0 = arith.constant 0 : index
    %get3A_1 = arith.constant 0 : index
    %get3A_2 = vector.load %arg1[%get3A, %get3A_0, %get3A_1] : memref<1x4096x8xf32, #tpu.memory_space<vmem>>, vector<1x4096x8xf32>
    %get3A_3 = vector.shape_cast %get3A_2 : vector<1x4096x8xf32> to vector<4096x8xf32>
    %iota3A = tpu.iota {dimensions = array<i32: 0>} : vector<4096x8xi32>
    %iota3A_4 = tpu.iota {dimensions = array<i32: 0>} : vector<16x8xi32>
    %broadcast_in_dim3A = arith.constant 0 : i32
    %broadcast_in_dim3A_5 = vector.broadcast %broadcast_in_dim3A : i32 to vector<16x8xi32>
    %reduce_max3A = arith.constant dense<0xFF800000> : vector<8xf32>
    %reduce_max3A_6 = vector.multi_reduction <maximumf>, %get3A_3, %reduce_max3A [0] : vector<4096x8xf32> to vector<8xf32>
    %broadcast_in_dim3A_7 = vector.shape_cast %reduce_max3A_6 : vector<8xf32> to vector<1x8xf32>
    %eq3A = vector.broadcast %broadcast_in_dim3A_7 : vector<1x8xf32> to vector<4096x8xf32>
    %eq3A_8 = arith.cmpf oeq, %get3A_3, %eq3A : vector<4096x8xf32>
    %jit3A = arith.constant 8192 : i32
    %broadcast_in_dim3A_9 = vector.broadcast %jit3A : i32 to vector<4096x8xi32>
    %select_n3A = arith.select %eq3A_8, %iota3A, %broadcast_in_dim3A_9 : vector<4096x8xi1>, vector<4096x8xi32>
    %reduce_min3A = arith.constant dense<2147483647> : vector<8xi32>
    %reduce_min3A_10 = vector.multi_reduction <minsi>, %select_n3A, %reduce_min3A [0] : vector<4096x8xi32> to vector<8xi32>
    %broadcast_in_dim3A_11 = vector.shape_cast %reduce_min3A_10 : vector<8xi32> to vector<1x8xi32>
    %eq3A_12 = arith.constant 0 : i32
    %eq3A_13 = vector.broadcast %eq3A_12 : i32 to vector<16x8xi32>
    %eq3A_14 = arith.cmpi eq, %iota3A_4, %eq3A_13 : vector<16x8xi32>
    %broadcast_in_dim3A_15 = vector.shape_cast %broadcast_in_dim3A_11 : vector<1x8xi32> to vector<1x8xi32>
    %broadcast_in_dim3A_16 = vector.broadcast %broadcast_in_dim3A_15 : vector<1x8xi32> to vector<16x8xi32>
    %select_n3A_17 = arith.select %eq3A_14, %broadcast_in_dim3A_16, %broadcast_in_dim3A_5 : vector<16x8xi1>, vector<16x8xi32>
    %eq3A_18 = vector.broadcast %broadcast_in_dim3A_11 : vector<1x8xi32> to vector<4096x8xi32>
    %eq3A_19 = arith.cmpi eq, %iota3A, %eq3A_18 : vector<4096x8xi32>
    %jit3A_20 = arith.constant 0xFF800000 : f32
    %broadcast_in_dim3A_21 = vector.broadcast %jit3A_20 : f32 to vector<4096x8xf32>
    %select_n3A_22 = arith.select %eq3A_19, %broadcast_in_dim3A_21, %get3A_3 : vector<4096x8xi1>, vector<4096x8xf32>
    %reduce_max3A_23 = arith.constant dense<0xFF800000> : vector<8xf32>
    %reduce_max3A_24 = vector.multi_reduction <maximumf>, %select_n3A_22, %reduce_max3A_23 [0] : vector<4096x8xf32> to vector<8xf32>
    %broadcast_in_dim3A_25 = vector.shape_cast %reduce_max3A_24 : vector<8xf32> to vector<1x8xf32>
    %eq3A_26 = vector.broadcast %broadcast_in_dim3A_25 : vector<1x8xf32> to vector<4096x8xf32>
    %eq3A_27 = arith.cmpf oeq, %select_n3A_22, %eq3A_26 : vector<4096x8xf32>
    %jit3A_28 = arith.constant 8192 : i32
    %broadcast_in_dim3A_29 = vector.broadcast %jit3A_28 : i32 to vector<4096x8xi32>
    %select_n3A_30 = arith.select %eq3A_27, %iota3A, %broadcast_in_dim3A_29 : vector<4096x8xi1>, vector<4096x8xi32>
    %reduce_min3A_31 = arith.constant dense<2147483647> : vector<8xi32>
    %reduce_min3A_32 = vector.multi_reduction <minsi>, %select_n3A_30, %reduce_min3A_31 [0] : vector<4096x8xi32> to vector<8xi32>
    %broadcast_in_dim3A_33 = vector.shape_cast %reduce_min3A_32 : vector<8xi32> to vector<1x8xi32>
    %eq3A_34 = arith.constant 1 : i32
    %eq3A_35 = vector.broadcast %eq3A_34 : i32 to vector<16x8xi32>
    %eq3A_36 = arith.cmpi eq, %iota3A_4, %eq3A_35 : vector<16x8xi32>
    %broadcast_in_dim3A_37 = vector.shape_cast %broadcast_in_dim3A_33 : vector<1x8xi32> to vector<1x8xi32>
    %broadcast_in_dim3A_38 = vector.broadcast %broadcast_in_dim3A_37 : vector<1x8xi32> to vector<16x8xi32>
    %select_n3A_39 = arith.select %eq3A_36, %broadcast_in_dim3A_38, %select_n3A_17 : vector<16x8xi1>, vector<16x8xi32>
    %eq3A_40 = vector.broadcast %broadcast_in_dim3A_33 : vector<1x8xi32> to vector<4096x8xi32>
    %eq3A_41 = arith.cmpi eq, %iota3A, %eq3A_40 : vector<4096x8xi32>
    %jit3A_42 = arith.constant 0xFF800000 : f32
    %broadcast_in_dim3A_43 = vector.broadcast %jit3A_42 : f32 to vector<4096x8xf32>
    %select_n3A_44 = arith.select %eq3A_41, %broadcast_in_dim3A_43, %select_n3A_22 : vector<4096x8xi1>, vector<4096x8xf32>
    %reduce_max3A_45 = arith.constant dense<0xFF800000> : vector<8xf32>
    %reduce_max3A_46 = vector.multi_reduction <maximumf>, %select_n3A_44, %reduce_max3A_45 [0] : vector<4096x8xf32> to vector<8xf32>
    %broadcast_in_dim3A_47 = vector.shape_cast %reduce_max3A_46 : vector<8xf32> to vector<1x8xf32>
    %eq3A_48 = vector.broadcast %broadcast_in_dim3A_47 : vector<1x8xf32> to vector<4096x8xf32>
    %eq3A_49 = arith.cmpf oeq, %select_n3A_44, %eq3A_48 : vector<4096x8xf32>
    %jit3A_50 = arith.constant 8192 : i32
    %broadcast_in_dim3A_51 = vector.broadcast %jit3A_50 : i32 to vector<4096x8xi32>
    %select_n3A_52 = arith.select %eq3A_49, %iota3A, %broadcast_in_dim3A_51 : vector<4096x8xi1>, vector<4096x8xi32>
    %reduce_min3A_53 = arith.constant dense<2147483647> : vector<8xi32>
    %reduce_min3A_54 = vector.multi_reduction <minsi>, %select_n3A_52, %reduce_min3A_53 [0] : vector<4096x8xi32> to vector<8xi32>
    %broadcast_in_dim3A_55 = vector.shape_cast %reduce_min3A_54 : vector<8xi32> to vector<1x8xi32>
    %eq3A_56 = arith.constant 2 : i32
    %eq3A_57 = vector.broadcast %eq3A_56 : i32 to vector<16x8xi32>
    %eq3A_58 = arith.cmpi eq, %iota3A_4, %eq3A_57 : vector<16x8xi32>
    %broadcast_in_dim3A_59 = vector.shape_cast %broadcast_in_dim3A_55 : vector<1x8xi32> to vector<1x8xi32>
    %broadcast_in_dim3A_60 = vector.broadcast %broadcast_in_dim3A_59 : vector<1x8xi32> to vector<16x8xi32>
    %select_n3A_61 = arith.select %eq3A_58, %broadcast_in_dim3A_60, %select_n3A_39 : vector<16x8xi1>, vector<16x8xi32>
    %eq3A_62 = vector.broadcast %broadcast_in_dim3A_55 : vector<1x8xi32> to vector<4096x8xi32>
    %eq3A_63 = arith.cmpi eq, %iota3A, %eq3A_62 : vector<4096x8xi32>
    %jit3A_64 = arith.constant 0xFF800000 : f32
    %broadcast_in_dim3A_65 = vector.broadcast %jit3A_64 : f32 to vector<4096x8xf32>
    %select_n3A_66 = arith.select %eq3A_63, %broadcast_in_dim3A_65, %select_n3A_44 : vector<4096x8xi1>, vector<4096x8xf32>
    %reduce_max3A_67 = arith.constant dense<0xFF800000> : vector<8xf32>
    %reduce_max3A_68 = vector.multi_reduction <maximumf>, %select_n3A_66, %reduce_max3A_67 [0] : vector<4096x8xf32> to vector<8xf32>
    %broadcast_in_dim3A_69 = vector.shape_cast %reduce_max3A_68 : vector<8xf32> to vector<1x8xf32>
    %eq3A_70 = vector.broadcast %broadcast_in_dim3A_69 : vector<1x8xf32> to vector<4096x8xf32>
    %eq3A_71 = arith.cmpf oeq, %select_n3A_66, %eq3A_70 : vector<4096x8xf32>
    %jit3A_72 = arith.constant 8192 : i32
    %broadcast_in_dim3A_73 = vector.broadcast %jit3A_72 : i32 to vector<4096x8xi32>
    %select_n3A_74 = arith.select %eq3A_71, %iota3A, %broadcast_in_dim3A_73 : vector<4096x8xi1>, vector<4096x8xi32>
    %reduce_min3A_75 = arith.constant dense<2147483647> : vector<8xi32>
    %reduce_min3A_76 = vector.multi_reduction <minsi>, %select_n3A_74, %reduce_min3A_75 [0] : vector<4096x8xi32> to vector<8xi32>
    %broadcast_in_dim3A_77 = vector.shape_cast %reduce_min3A_76 : vector<8xi32> to vector<1x8xi32>
    %eq3A_78 = arith.constant 3 : i32
    %eq3A_79 = vector.broadcast %eq3A_78 : i32 to vector<16x8xi32>
    %eq3A_80 = arith.cmpi eq, %iota3A_4, %eq3A_79 : vector<16x8xi32>
    %broadcast_in_dim3A_81 = vector.shape_cast %broadcast_in_dim3A_77 : vector<1x8xi32> to vector<1x8xi32>
    %broadcast_in_dim3A_82 = vector.broadcast %broadcast_in_dim3A_81 : vector<1x8xi32> to vector<16x8xi32>
    %select_n3A_83 = arith.select %eq3A_80, %broadcast_in_dim3A_82, %select_n3A_61 : vector<16x8xi1>, vector<16x8xi32>
    %eq3A_84 = vector.broadcast %broadcast_in_dim3A_77 : vector<1x8xi32> to vector<4096x8xi32>
    %eq3A_85 = arith.cmpi eq, %iota3A, %eq3A_84 : vector<4096x8xi32>
    %jit3A_86 = arith.constant 0xFF800000 : f32
    %broadcast_in_dim3A_87 = vector.broadcast %jit3A_86 : f32 to vector<4096x8xf32>
    %select_n3A_88 = arith.select %eq3A_85, %broadcast_in_dim3A_87, %select_n3A_66 : vector<4096x8xi1>, vector<4096x8xf32>
    %reduce_max3A_89 = arith.constant dense<0xFF800000> : vector<8xf32>
    %reduce_max3A_90 = vector.multi_reduction <maximumf>, %select_n3A_88, %reduce_max3A_89 [0] : vector<4096x8xf32> to vector<8xf32>
    %broadcast_in_dim3A_91 = vector.shape_cast %reduce_max3A_90 : vector<8xf32> to vector<1x8xf32>
    %eq3A_92 = vector.broadcast %broadcast_in_dim3A_91 : vector<1x8xf32> to vector<4096x8xf32>
    %eq3A_93 = arith.cmpf oeq, %select_n3A_88, %eq3A_92 : vector<4096x8xf32>
    %jit3A_94 = arith.constant 8192 : i32
    %broadcast_in_dim3A_95 = vector.broadcast %jit3A_94 : i32 to vector<4096x8xi32>
    %select_n3A_96 = arith.select %eq3A_93, %iota3A, %broadcast_in_dim3A_95 : vector<4096x8xi1>, vector<4096x8xi32>
    %reduce_min3A_97 = arith.constant dense<2147483647> : vector<8xi32>
    %reduce_min3A_98 = vector.multi_reduction <minsi>, %select_n3A_96, %reduce_min3A_97 [0] : vector<4096x8xi32> to vector<8xi32>
    %broadcast_in_dim3A_99 = vector.shape_cast %reduce_min3A_98 : vector<8xi32> to vector<1x8xi32>
    %eq3A_100 = arith.constant 4 : i32
    %eq3A_101 = vector.broadcast %eq3A_100 : i32 to vector<16x8xi32>
    %eq3A_102 = arith.cmpi eq, %iota3A_4, %eq3A_101 : vector<16x8xi32>
    %broadcast_in_dim3A_103 = vector.shape_cast %broadcast_in_dim3A_99 : vector<1x8xi32> to vector<1x8xi32>
    %broadcast_in_dim3A_104 = vector.broadcast %broadcast_in_dim3A_103 : vector<1x8xi32> to vector<16x8xi32>
    %select_n3A_105 = arith.select %eq3A_102, %broadcast_in_dim3A_104, %select_n3A_83 : vector<16x8xi1>, vector<16x8xi32>
    %eq3A_106 = vector.broadcast %broadcast_in_dim3A_99 : vector<1x8xi32> to vector<4096x8xi32>
    %eq3A_107 = arith.cmpi eq, %iota3A, %eq3A_106 : vector<4096x8xi32>
    %jit3A_108 = arith.constant 0xFF800000 : f32
    %broadcast_in_dim3A_109 = vector.broadcast %jit3A_108 : f32 to vector<4096x8xf32>
    %select_n3A_110 = arith.select %eq3A_107, %broadcast_in_dim3A_109, %select_n3A_88 : vector<4096x8xi1>, vector<4096x8xf32>
    %reduce_max3A_111 = arith.constant dense<0xFF800000> : vector<8xf32>
    %reduce_max3A_112 = vector.multi_reduction <maximumf>, %select_n3A_110, %reduce_max3A_111 [0] : vector<4096x8xf32> to vector<8xf32>
    %broadcast_in_dim3A_113 = vector.shape_cast %reduce_max3A_112 : vector<8xf32> to vector<1x8xf32>
    %eq3A_114 = vector.broadcast %broadcast_in_dim3A_113 : vector<1x8xf32> to vector<4096x8xf32>
    %eq3A_115 = arith.cmpf oeq, %select_n3A_110, %eq3A_114 : vector<4096x8xf32>
    %jit3A_116 = arith.constant 8192 : i32
    %broadcast_in_dim3A_117 = vector.broadcast %jit3A_116 : i32 to vector<4096x8xi32>
    %select_n3A_118 = arith.select %eq3A_115, %iota3A, %broadcast_in_dim3A_117 : vector<4096x8xi1>, vector<4096x8xi32>
    %reduce_min3A_119 = arith.constant dense<2147483647> : vector<8xi32>
    %reduce_min3A_120 = vector.multi_reduction <minsi>, %select_n3A_118, %reduce_min3A_119 [0] : vector<4096x8xi32> to vector<8xi32>
    %broadcast_in_dim3A_121 = vector.shape_cast %reduce_min3A_120 : vector<8xi32> to vector<1x8xi32>
    %eq3A_122 = arith.constant 5 : i32
    %eq3A_123 = vector.broadcast %eq3A_122 : i32 to vector<16x8xi32>
    %eq3A_124 = arith.cmpi eq, %iota3A_4, %eq3A_123 : vector<16x8xi32>
    %broadcast_in_dim3A_125 = vector.shape_cast %broadcast_in_dim3A_121 : vector<1x8xi32> to vector<1x8xi32>
    %broadcast_in_dim3A_126 = vector.broadcast %broadcast_in_dim3A_125 : vector<1x8xi32> to vector<16x8xi32>
    %select_n3A_127 = arith.select %eq3A_124, %broadcast_in_dim3A_126, %select_n3A_105 : vector<16x8xi1>, vector<16x8xi32>
    %eq3A_128 = vector.broadcast %broadcast_in_dim3A_121 : vector<1x8xi32> to vector<4096x8xi32>
    %eq3A_129 = arith.cmpi eq, %iota3A, %eq3A_128 : vector<4096x8xi32>
    %jit3A_130 = arith.constant 0xFF800000 : f32
    %broadcast_in_dim3A_131 = vector.broadcast %jit3A_130 : f32 to vector<4096x8xf32>
    %select_n3A_132 = arith.select %eq3A_129, %broadcast_in_dim3A_131, %select_n3A_110 : vector<4096x8xi1>, vector<4096x8xf32>
    %reduce_max3A_133 = arith.constant dense<0xFF800000> : vector<8xf32>
    %reduce_max3A_134 = vector.multi_reduction <maximumf>, %select_n3A_132, %reduce_max3A_133 [0] : vector<4096x8xf32> to vector<8xf32>
    %broadcast_in_dim3A_135 = vector.shape_cast %reduce_max3A_134 : vector<8xf32> to vector<1x8xf32>
    %eq3A_136 = vector.broadcast %broadcast_in_dim3A_135 : vector<1x8xf32> to vector<4096x8xf32>
    %eq3A_137 = arith.cmpf oeq, %select_n3A_132, %eq3A_136 : vector<4096x8xf32>
    %jit3A_138 = arith.constant 8192 : i32
    %broadcast_in_dim3A_139 = vector.broadcast %jit3A_138 : i32 to vector<4096x8xi32>
    %select_n3A_140 = arith.select %eq3A_137, %iota3A, %broadcast_in_dim3A_139 : vector<4096x8xi1>, vector<4096x8xi32>
    %reduce_min3A_141 = arith.constant dense<2147483647> : vector<8xi32>
    %reduce_min3A_142 = vector.multi_reduction <minsi>, %select_n3A_140, %reduce_min3A_141 [0] : vector<4096x8xi32> to vector<8xi32>
    %broadcast_in_dim3A_143 = vector.shape_cast %reduce_min3A_142 : vector<8xi32> to vector<1x8xi32>
    %eq3A_144 = arith.constant 6 : i32
    %eq3A_145 = vector.broadcast %eq3A_144 : i32 to vector<16x8xi32>
    %eq3A_146 = arith.cmpi eq, %iota3A_4, %eq3A_145 : vector<16x8xi32>
    %broadcast_in_dim3A_147 = vector.shape_cast %broadcast_in_dim3A_143 : vector<1x8xi32> to vector<1x8xi32>
    %broadcast_in_dim3A_148 = vector.broadcast %broadcast_in_dim3A_147 : vector<1x8xi32> to vector<16x8xi32>
    %select_n3A_149 = arith.select %eq3A_146, %broadcast_in_dim3A_148, %select_n3A_127 : vector<16x8xi1>, vector<16x8xi32>
    %eq3A_150 = vector.broadcast %broadcast_in_dim3A_143 : vector<1x8xi32> to vector<4096x8xi32>
    %eq3A_151 = arith.cmpi eq, %iota3A, %eq3A_150 : vector<4096x8xi32>
    %jit3A_152 = arith.constant 0xFF800000 : f32
    %broadcast_in_dim3A_153 = vector.broadcast %jit3A_152 : f32 to vector<4096x8xf32>
    %select_n3A_154 = arith.select %eq3A_151, %broadcast_in_dim3A_153, %select_n3A_132 : vector<4096x8xi1>, vector<4096x8xf32>
    %reduce_max3A_155 = arith.constant dense<0xFF800000> : vector<8xf32>
    %reduce_max3A_156 = vector.multi_reduction <maximumf>, %select_n3A_154, %reduce_max3A_155 [0] : vector<4096x8xf32> to vector<8xf32>
    %broadcast_in_dim3A_157 = vector.shape_cast %reduce_max3A_156 : vector<8xf32> to vector<1x8xf32>
    %eq3A_158 = vector.broadcast %broadcast_in_dim3A_157 : vector<1x8xf32> to vector<4096x8xf32>
    %eq3A_159 = arith.cmpf oeq, %select_n3A_154, %eq3A_158 : vector<4096x8xf32>
    %jit3A_160 = arith.constant 8192 : i32
    %broadcast_in_dim3A_161 = vector.broadcast %jit3A_160 : i32 to vector<4096x8xi32>
    %select_n3A_162 = arith.select %eq3A_159, %iota3A, %broadcast_in_dim3A_161 : vector<4096x8xi1>, vector<4096x8xi32>
    %reduce_min3A_163 = arith.constant dense<2147483647> : vector<8xi32>
    %reduce_min3A_164 = vector.multi_reduction <minsi>, %select_n3A_162, %reduce_min3A_163 [0] : vector<4096x8xi32> to vector<8xi32>
    %broadcast_in_dim3A_165 = vector.shape_cast %reduce_min3A_164 : vector<8xi32> to vector<1x8xi32>
    %eq3A_166 = arith.constant 7 : i32
    %eq3A_167 = vector.broadcast %eq3A_166 : i32 to vector<16x8xi32>
    %eq3A_168 = arith.cmpi eq, %iota3A_4, %eq3A_167 : vector<16x8xi32>
    %broadcast_in_dim3A_169 = vector.shape_cast %broadcast_in_dim3A_165 : vector<1x8xi32> to vector<1x8xi32>
    %broadcast_in_dim3A_170 = vector.broadcast %broadcast_in_dim3A_169 : vector<1x8xi32> to vector<16x8xi32>
    %select_n3A_171 = arith.select %eq3A_168, %broadcast_in_dim3A_170, %select_n3A_149 : vector<16x8xi1>, vector<16x8xi32>
    %eq3A_172 = vector.broadcast %broadcast_in_dim3A_165 : vector<1x8xi32> to vector<4096x8xi32>
    %eq3A_173 = arith.cmpi eq, %iota3A, %eq3A_172 : vector<4096x8xi32>
    %jit3A_174 = arith.constant 0xFF800000 : f32
    %broadcast_in_dim3A_175 = vector.broadcast %jit3A_174 : f32 to vector<4096x8xf32>
    %select_n3A_176 = arith.select %eq3A_173, %broadcast_in_dim3A_175, %select_n3A_154 : vector<4096x8xi1>, vector<4096x8xf32>
    %reduce_max3A_177 = arith.constant dense<0xFF800000> : vector<8xf32>
    %reduce_max3A_178 = vector.multi_reduction <maximumf>, %select_n3A_176, %reduce_max3A_177 [0] : vector<4096x8xf32> to vector<8xf32>
    %broadcast_in_dim3A_179 = vector.shape_cast %reduce_max3A_178 : vector<8xf32> to vector<1x8xf32>
    %eq3A_180 = vector.broadcast %broadcast_in_dim3A_179 : vector<1x8xf32> to vector<4096x8xf32>
    %eq3A_181 = arith.cmpf oeq, %select_n3A_176, %eq3A_180 : vector<4096x8xf32>
    %jit3A_182 = arith.constant 8192 : i32
    %broadcast_in_dim3A_183 = vector.broadcast %jit3A_182 : i32 to vector<4096x8xi32>
    %select_n3A_184 = arith.select %eq3A_181, %iota3A, %broadcast_in_dim3A_183 : vector<4096x8xi1>, vector<4096x8xi32>
    %reduce_min3A_185 = arith.constant dense<2147483647> : vector<8xi32>
    %reduce_min3A_186 = vector.multi_reduction <minsi>, %select_n3A_184, %reduce_min3A_185 [0] : vector<4096x8xi32> to vector<8xi32>
    %broadcast_in_dim3A_187 = vector.shape_cast %reduce_min3A_186 : vector<8xi32> to vector<1x8xi32>
    %eq3A_188 = arith.constant 8 : i32
    %eq3A_189 = vector.broadcast %eq3A_188 : i32 to vector<16x8xi32>
    %eq3A_190 = arith.cmpi eq, %iota3A_4, %eq3A_189 : vector<16x8xi32>
    %broadcast_in_dim3A_191 = vector.shape_cast %broadcast_in_dim3A_187 : vector<1x8xi32> to vector<1x8xi32>
    %broadcast_in_dim3A_192 = vector.broadcast %broadcast_in_dim3A_191 : vector<1x8xi32> to vector<16x8xi32>
    %select_n3A_193 = arith.select %eq3A_190, %broadcast_in_dim3A_192, %select_n3A_171 : vector<16x8xi1>, vector<16x8xi32>
    %eq3A_194 = vector.broadcast %broadcast_in_dim3A_187 : vector<1x8xi32> to vector<4096x8xi32>
    %eq3A_195 = arith.cmpi eq, %iota3A, %eq3A_194 : vector<4096x8xi32>
    %jit3A_196 = arith.constant 0xFF800000 : f32
    %broadcast_in_dim3A_197 = vector.broadcast %jit3A_196 : f32 to vector<4096x8xf32>
    %select_n3A_198 = arith.select %eq3A_195, %broadcast_in_dim3A_197, %select_n3A_176 : vector<4096x8xi1>, vector<4096x8xf32>
    %reduce_max3A_199 = arith.constant dense<0xFF800000> : vector<8xf32>
    %reduce_max3A_200 = vector.multi_reduction <maximumf>, %select_n3A_198, %reduce_max3A_199 [0] : vector<4096x8xf32> to vector<8xf32>
    %broadcast_in_dim3A_201 = vector.shape_cast %reduce_max3A_200 : vector<8xf32> to vector<1x8xf32>
    %eq3A_202 = vector.broadcast %broadcast_in_dim3A_201 : vector<1x8xf32> to vector<4096x8xf32>
    %eq3A_203 = arith.cmpf oeq, %select_n3A_198, %eq3A_202 : vector<4096x8xf32>
    %jit3A_204 = arith.constant 8192 : i32
    %broadcast_in_dim3A_205 = vector.broadcast %jit3A_204 : i32 to vector<4096x8xi32>
    %select_n3A_206 = arith.select %eq3A_203, %iota3A, %broadcast_in_dim3A_205 : vector<4096x8xi1>, vector<4096x8xi32>
    %reduce_min3A_207 = arith.constant dense<2147483647> : vector<8xi32>
    %reduce_min3A_208 = vector.multi_reduction <minsi>, %select_n3A_206, %reduce_min3A_207 [0] : vector<4096x8xi32> to vector<8xi32>
    %broadcast_in_dim3A_209 = vector.shape_cast %reduce_min3A_208 : vector<8xi32> to vector<1x8xi32>
    %eq3A_210 = arith.constant 9 : i32
    %eq3A_211 = vector.broadcast %eq3A_210 : i32 to vector<16x8xi32>
    %eq3A_212 = arith.cmpi eq, %iota3A_4, %eq3A_211 : vector<16x8xi32>
    %broadcast_in_dim3A_213 = vector.shape_cast %broadcast_in_dim3A_209 : vector<1x8xi32> to vector<1x8xi32>
    %broadcast_in_dim3A_214 = vector.broadcast %broadcast_in_dim3A_213 : vector<1x8xi32> to vector<16x8xi32>
    %select_n3A_215 = arith.select %eq3A_212, %broadcast_in_dim3A_214, %select_n3A_193 : vector<16x8xi1>, vector<16x8xi32>
    %eq3A_216 = vector.broadcast %broadcast_in_dim3A_209 : vector<1x8xi32> to vector<4096x8xi32>
    %eq3A_217 = arith.cmpi eq, %iota3A, %eq3A_216 : vector<4096x8xi32>
    %jit3A_218 = arith.constant 0xFF800000 : f32
    %broadcast_in_dim3A_219 = vector.broadcast %jit3A_218 : f32 to vector<4096x8xf32>
    %select_n3A_220 = arith.select %eq3A_217, %broadcast_in_dim3A_219, %select_n3A_198 : vector<4096x8xi1>, vector<4096x8xf32>
    %reduce_max3A_221 = arith.constant dense<0xFF800000> : vector<8xf32>
    %reduce_max3A_222 = vector.multi_reduction <maximumf>, %select_n3A_220, %reduce_max3A_221 [0] : vector<4096x8xf32> to vector<8xf32>
    %broadcast_in_dim3A_223 = vector.shape_cast %reduce_max3A_222 : vector<8xf32> to vector<1x8xf32>
    %eq3A_224 = vector.broadcast %broadcast_in_dim3A_223 : vector<1x8xf32> to vector<4096x8xf32>
    %eq3A_225 = arith.cmpf oeq, %select_n3A_220, %eq3A_224 : vector<4096x8xf32>
    %jit3A_226 = arith.constant 8192 : i32
    %broadcast_in_dim3A_227 = vector.broadcast %jit3A_226 : i32 to vector<4096x8xi32>
    %select_n3A_228 = arith.select %eq3A_225, %iota3A, %broadcast_in_dim3A_227 : vector<4096x8xi1>, vector<4096x8xi32>
    %reduce_min3A_229 = arith.constant dense<2147483647> : vector<8xi32>
    %reduce_min3A_230 = vector.multi_reduction <minsi>, %select_n3A_228, %reduce_min3A_229 [0] : vector<4096x8xi32> to vector<8xi32>
    %broadcast_in_dim3A_231 = vector.shape_cast %reduce_min3A_230 : vector<8xi32> to vector<1x8xi32>
    %eq3A_232 = arith.constant 10 : i32
    %eq3A_233 = vector.broadcast %eq3A_232 : i32 to vector<16x8xi32>
    %eq3A_234 = arith.cmpi eq, %iota3A_4, %eq3A_233 : vector<16x8xi32>
    %broadcast_in_dim3A_235 = vector.shape_cast %broadcast_in_dim3A_231 : vector<1x8xi32> to vector<1x8xi32>
    %broadcast_in_dim3A_236 = vector.broadcast %broadcast_in_dim3A_235 : vector<1x8xi32> to vector<16x8xi32>
    %select_n3A_237 = arith.select %eq3A_234, %broadcast_in_dim3A_236, %select_n3A_215 : vector<16x8xi1>, vector<16x8xi32>
    %eq3A_238 = vector.broadcast %broadcast_in_dim3A_231 : vector<1x8xi32> to vector<4096x8xi32>
    %eq3A_239 = arith.cmpi eq, %iota3A, %eq3A_238 : vector<4096x8xi32>
    %jit3A_240 = arith.constant 0xFF800000 : f32
    %broadcast_in_dim3A_241 = vector.broadcast %jit3A_240 : f32 to vector<4096x8xf32>
    %select_n3A_242 = arith.select %eq3A_239, %broadcast_in_dim3A_241, %select_n3A_220 : vector<4096x8xi1>, vector<4096x8xf32>
    %reduce_max3A_243 = arith.constant dense<0xFF800000> : vector<8xf32>
    %reduce_max3A_244 = vector.multi_reduction <maximumf>, %select_n3A_242, %reduce_max3A_243 [0] : vector<4096x8xf32> to vector<8xf32>
    %broadcast_in_dim3A_245 = vector.shape_cast %reduce_max3A_244 : vector<8xf32> to vector<1x8xf32>
    %eq3A_246 = vector.broadcast %broadcast_in_dim3A_245 : vector<1x8xf32> to vector<4096x8xf32>
    %eq3A_247 = arith.cmpf oeq, %select_n3A_242, %eq3A_246 : vector<4096x8xf32>
    %jit3A_248 = arith.constant 8192 : i32
    %broadcast_in_dim3A_249 = vector.broadcast %jit3A_248 : i32 to vector<4096x8xi32>
    %select_n3A_250 = arith.select %eq3A_247, %iota3A, %broadcast_in_dim3A_249 : vector<4096x8xi1>, vector<4096x8xi32>
    %reduce_min3A_251 = arith.constant dense<2147483647> : vector<8xi32>
    %reduce_min3A_252 = vector.multi_reduction <minsi>, %select_n3A_250, %reduce_min3A_251 [0] : vector<4096x8xi32> to vector<8xi32>
    %broadcast_in_dim3A_253 = vector.shape_cast %reduce_min3A_252 : vector<8xi32> to vector<1x8xi32>
    %eq3A_254 = arith.constant 11 : i32
    %eq3A_255 = vector.broadcast %eq3A_254 : i32 to vector<16x8xi32>
    %eq3A_256 = arith.cmpi eq, %iota3A_4, %eq3A_255 : vector<16x8xi32>
    %broadcast_in_dim3A_257 = vector.shape_cast %broadcast_in_dim3A_253 : vector<1x8xi32> to vector<1x8xi32>
    %broadcast_in_dim3A_258 = vector.broadcast %broadcast_in_dim3A_257 : vector<1x8xi32> to vector<16x8xi32>
    %select_n3A_259 = arith.select %eq3A_256, %broadcast_in_dim3A_258, %select_n3A_237 : vector<16x8xi1>, vector<16x8xi32>
    %eq3A_260 = vector.broadcast %broadcast_in_dim3A_253 : vector<1x8xi32> to vector<4096x8xi32>
    %eq3A_261 = arith.cmpi eq, %iota3A, %eq3A_260 : vector<4096x8xi32>
    %jit3A_262 = arith.constant 0xFF800000 : f32
    %broadcast_in_dim3A_263 = vector.broadcast %jit3A_262 : f32 to vector<4096x8xf32>
    %select_n3A_264 = arith.select %eq3A_261, %broadcast_in_dim3A_263, %select_n3A_242 : vector<4096x8xi1>, vector<4096x8xf32>
    %reduce_max3A_265 = arith.constant dense<0xFF800000> : vector<8xf32>
    %reduce_max3A_266 = vector.multi_reduction <maximumf>, %select_n3A_264, %reduce_max3A_265 [0] : vector<4096x8xf32> to vector<8xf32>
    %broadcast_in_dim3A_267 = vector.shape_cast %reduce_max3A_266 : vector<8xf32> to vector<1x8xf32>
    %eq3A_268 = vector.broadcast %broadcast_in_dim3A_267 : vector<1x8xf32> to vector<4096x8xf32>
    %eq3A_269 = arith.cmpf oeq, %select_n3A_264, %eq3A_268 : vector<4096x8xf32>
    %jit3A_270 = arith.constant 8192 : i32
    %broadcast_in_dim3A_271 = vector.broadcast %jit3A_270 : i32 to vector<4096x8xi32>
    %select_n3A_272 = arith.select %eq3A_269, %iota3A, %broadcast_in_dim3A_271 : vector<4096x8xi1>, vector<4096x8xi32>
    %reduce_min3A_273 = arith.constant dense<2147483647> : vector<8xi32>
    %reduce_min3A_274 = vector.multi_reduction <minsi>, %select_n3A_272, %reduce_min3A_273 [0] : vector<4096x8xi32> to vector<8xi32>
    %broadcast_in_dim3A_275 = vector.shape_cast %reduce_min3A_274 : vector<8xi32> to vector<1x8xi32>
    %eq3A_276 = arith.constant 12 : i32
    %eq3A_277 = vector.broadcast %eq3A_276 : i32 to vector<16x8xi32>
    %eq3A_278 = arith.cmpi eq, %iota3A_4, %eq3A_277 : vector<16x8xi32>
    %broadcast_in_dim3A_279 = vector.shape_cast %broadcast_in_dim3A_275 : vector<1x8xi32> to vector<1x8xi32>
    %broadcast_in_dim3A_280 = vector.broadcast %broadcast_in_dim3A_279 : vector<1x8xi32> to vector<16x8xi32>
    %select_n3A_281 = arith.select %eq3A_278, %broadcast_in_dim3A_280, %select_n3A_259 : vector<16x8xi1>, vector<16x8xi32>
    %eq3A_282 = vector.broadcast %broadcast_in_dim3A_275 : vector<1x8xi32> to vector<4096x8xi32>
    %eq3A_283 = arith.cmpi eq, %iota3A, %eq3A_282 : vector<4096x8xi32>
    %jit3A_284 = arith.constant 0xFF800000 : f32
    %broadcast_in_dim3A_285 = vector.broadcast %jit3A_284 : f32 to vector<4096x8xf32>
    %select_n3A_286 = arith.select %eq3A_283, %broadcast_in_dim3A_285, %select_n3A_264 : vector<4096x8xi1>, vector<4096x8xf32>
    %reduce_max3A_287 = arith.constant dense<0xFF800000> : vector<8xf32>
    %reduce_max3A_288 = vector.multi_reduction <maximumf>, %select_n3A_286, %reduce_max3A_287 [0] : vector<4096x8xf32> to vector<8xf32>
    %broadcast_in_dim3A_289 = vector.shape_cast %reduce_max3A_288 : vector<8xf32> to vector<1x8xf32>
    %eq3A_290 = vector.broadcast %broadcast_in_dim3A_289 : vector<1x8xf32> to vector<4096x8xf32>
    %eq3A_291 = arith.cmpf oeq, %select_n3A_286, %eq3A_290 : vector<4096x8xf32>
    %jit3A_292 = arith.constant 8192 : i32
    %broadcast_in_dim3A_293 = vector.broadcast %jit3A_292 : i32 to vector<4096x8xi32>
    %select_n3A_294 = arith.select %eq3A_291, %iota3A, %broadcast_in_dim3A_293 : vector<4096x8xi1>, vector<4096x8xi32>
    %reduce_min3A_295 = arith.constant dense<2147483647> : vector<8xi32>
    %reduce_min3A_296 = vector.multi_reduction <minsi>, %select_n3A_294, %reduce_min3A_295 [0] : vector<4096x8xi32> to vector<8xi32>
    %broadcast_in_dim3A_297 = vector.shape_cast %reduce_min3A_296 : vector<8xi32> to vector<1x8xi32>
    %eq3A_298 = arith.constant 13 : i32
    %eq3A_299 = vector.broadcast %eq3A_298 : i32 to vector<16x8xi32>
    %eq3A_300 = arith.cmpi eq, %iota3A_4, %eq3A_299 : vector<16x8xi32>
    %broadcast_in_dim3A_301 = vector.shape_cast %broadcast_in_dim3A_297 : vector<1x8xi32> to vector<1x8xi32>
    %broadcast_in_dim3A_302 = vector.broadcast %broadcast_in_dim3A_301 : vector<1x8xi32> to vector<16x8xi32>
    %select_n3A_303 = arith.select %eq3A_300, %broadcast_in_dim3A_302, %select_n3A_281 : vector<16x8xi1>, vector<16x8xi32>
    %eq3A_304 = vector.broadcast %broadcast_in_dim3A_297 : vector<1x8xi32> to vector<4096x8xi32>
    %eq3A_305 = arith.cmpi eq, %iota3A, %eq3A_304 : vector<4096x8xi32>
    %jit3A_306 = arith.constant 0xFF800000 : f32
    %broadcast_in_dim3A_307 = vector.broadcast %jit3A_306 : f32 to vector<4096x8xf32>
    %select_n3A_308 = arith.select %eq3A_305, %broadcast_in_dim3A_307, %select_n3A_286 : vector<4096x8xi1>, vector<4096x8xf32>
    %reduce_max3A_309 = arith.constant dense<0xFF800000> : vector<8xf32>
    %reduce_max3A_310 = vector.multi_reduction <maximumf>, %select_n3A_308, %reduce_max3A_309 [0] : vector<4096x8xf32> to vector<8xf32>
    %broadcast_in_dim3A_311 = vector.shape_cast %reduce_max3A_310 : vector<8xf32> to vector<1x8xf32>
    %eq3A_312 = vector.broadcast %broadcast_in_dim3A_311 : vector<1x8xf32> to vector<4096x8xf32>
    %eq3A_313 = arith.cmpf oeq, %select_n3A_308, %eq3A_312 : vector<4096x8xf32>
    %jit3A_314 = arith.constant 8192 : i32
    %broadcast_in_dim3A_315 = vector.broadcast %jit3A_314 : i32 to vector<4096x8xi32>
    %select_n3A_316 = arith.select %eq3A_313, %iota3A, %broadcast_in_dim3A_315 : vector<4096x8xi1>, vector<4096x8xi32>
    %reduce_min3A_317 = arith.constant dense<2147483647> : vector<8xi32>
    %reduce_min3A_318 = vector.multi_reduction <minsi>, %select_n3A_316, %reduce_min3A_317 [0] : vector<4096x8xi32> to vector<8xi32>
    %broadcast_in_dim3A_319 = vector.shape_cast %reduce_min3A_318 : vector<8xi32> to vector<1x8xi32>
    %eq3A_320 = arith.constant 14 : i32
    %eq3A_321 = vector.broadcast %eq3A_320 : i32 to vector<16x8xi32>
    %eq3A_322 = arith.cmpi eq, %iota3A_4, %eq3A_321 : vector<16x8xi32>
    %broadcast_in_dim3A_323 = vector.shape_cast %broadcast_in_dim3A_319 : vector<1x8xi32> to vector<1x8xi32>
    %broadcast_in_dim3A_324 = vector.broadcast %broadcast_in_dim3A_323 : vector<1x8xi32> to vector<16x8xi32>
    %select_n3A_325 = arith.select %eq3A_322, %broadcast_in_dim3A_324, %select_n3A_303 : vector<16x8xi1>, vector<16x8xi32>
    %eq3A_326 = vector.broadcast %broadcast_in_dim3A_319 : vector<1x8xi32> to vector<4096x8xi32>
    %eq3A_327 = arith.cmpi eq, %iota3A, %eq3A_326 : vector<4096x8xi32>
    %jit3A_328 = arith.constant 0xFF800000 : f32
    %broadcast_in_dim3A_329 = vector.broadcast %jit3A_328 : f32 to vector<4096x8xf32>
    %select_n3A_330 = arith.select %eq3A_327, %broadcast_in_dim3A_329, %select_n3A_308 : vector<4096x8xi1>, vector<4096x8xf32>
    %reduce_max3A_331 = arith.constant dense<0xFF800000> : vector<8xf32>
    %reduce_max3A_332 = vector.multi_reduction <maximumf>, %select_n3A_330, %reduce_max3A_331 [0] : vector<4096x8xf32> to vector<8xf32>
    %broadcast_in_dim3A_333 = vector.shape_cast %reduce_max3A_332 : vector<8xf32> to vector<1x8xf32>
    %eq3A_334 = vector.broadcast %broadcast_in_dim3A_333 : vector<1x8xf32> to vector<4096x8xf32>
    %eq3A_335 = arith.cmpf oeq, %select_n3A_330, %eq3A_334 : vector<4096x8xf32>
    %jit3A_336 = arith.constant 8192 : i32
    %broadcast_in_dim3A_337 = vector.broadcast %jit3A_336 : i32 to vector<4096x8xi32>
    %select_n3A_338 = arith.select %eq3A_335, %iota3A, %broadcast_in_dim3A_337 : vector<4096x8xi1>, vector<4096x8xi32>
    %reduce_min3A_339 = arith.constant dense<2147483647> : vector<8xi32>
    %reduce_min3A_340 = vector.multi_reduction <minsi>, %select_n3A_338, %reduce_min3A_339 [0] : vector<4096x8xi32> to vector<8xi32>
    %broadcast_in_dim3A_341 = vector.shape_cast %reduce_min3A_340 : vector<8xi32> to vector<1x8xi32>
    %eq3A_342 = arith.constant 15 : i32
    %eq3A_343 = vector.broadcast %eq3A_342 : i32 to vector<16x8xi32>
    %eq3A_344 = arith.cmpi eq, %iota3A_4, %eq3A_343 : vector<16x8xi32>
    %broadcast_in_dim3A_345 = vector.shape_cast %broadcast_in_dim3A_341 : vector<1x8xi32> to vector<1x8xi32>
    %broadcast_in_dim3A_346 = vector.broadcast %broadcast_in_dim3A_345 : vector<1x8xi32> to vector<16x8xi32>
    %select_n3A_347 = arith.select %eq3A_344, %broadcast_in_dim3A_346, %select_n3A_325 : vector<16x8xi1>, vector<16x8xi32>
    %swap3A = arith.constant 0 : index
    %swap3A_348 = arith.constant 0 : index
    %swap3A_349 = arith.constant 0 : index
    %swap3A_350 = vector.load %arg2[%swap3A, %swap3A_348, %swap3A_349] : memref<1x16x8xi32, #tpu.memory_space<vmem>>, vector<1x16x8xi32>
    %swap3A_351 = vector.shape_cast %swap3A_350 : vector<1x16x8xi32> to vector<16x8xi32>
    %swap3A_352 = vector.shape_cast %select_n3A_347 : vector<16x8xi32> to vector<1x16x8xi32>
    tpu.vector_store %arg2[%swap3A, %swap3A_348, %swap3A_349], %swap3A_352 {strides = array<i32>} : memref<1x16x8xi32, #tpu.memory_space<vmem>>, vector<1x16x8xi32>,
    return
  }
  func.func @transform_0(%arg0: i32) -> (i32, i32, i32) {
    %c0_i32 = arith.constant 0 : i32
    %c0_i32_0 = arith.constant 0 : i32
    %c0_i32_1 = arith.constant 0 : i32
    return %arg0, %c0_i32, %c0_i32_0 : i32, i32, i32
  }
  func.func @transform_1(%arg0: i32) -> (i32, i32, i32) {
    %c0_i32 = arith.constant 0 : i32
    %c0_i32_0 = arith.constant 0 : i32
    %c0_i32_1 = arith.constant 0 : i32
    return %arg0, %c0_i32, %c0_i32_0 : i32, i32, i32
  }
}

</mosaic_0001>

<sc_bundles>
// kernel: kernel.5.cloned.1.call-start
scs
__scs_entry_jumppad:
0x0: {  	(pc) =	sbr.rel $0x88, $3  }
0x1: {  	(tag) =	ssettag $0x0;
	lr =	simm.s32 $0x1  }
0x2: {  	[smem:$0x3F9F] =	sst lr;
	_ =	strace $0xD0000000  }
0x3: {  	_ = 	snop  }
0x4: {  	_ = 	snop  }
0x5: {  	_ = 	snop  }
0x6: {  	_ = 	snop  }
0x7: {  	_ = 	snop  }
__scs_overlays_trampoline_lowered:
0x8: {  	[smem:$0x3FAE] =	sst s0  }
0x9: {  	[smem:$0x3FAF] =	sst s1  }
0xa: {  	[smem:$0x3FB0] =	sst s2  }
0xb: {  	[smem:$0x3FB1] =	sst s3  }
0xc: {  	[smem:$0x3FB2] =	sst s4  }
0xd: {  	[smem:$0x3FB3] =	sst s5  }
0xe: {  	[smem:$0x3FB4] =	sst s6  }
0xf: {  	[smem:$0x3FB5] =	sst s7  }
0x10: {  	[smem:$0x3FB6] =	sst s8  }
0x11: {  	[smem:$0x3FB7] =	sst s9;
	s0 =	simm.s32 @!p0 $0x0  }
0x12: {  	s1 =	sld [smem:$0x3F9D];
	s0 =	simm.s32 @p0 $0x1  }
0x13: {  	[smem:$0x3FB8] =	sst s0;
	s0 =	simm.s32 @!p1 $0x0  }
0x14: {  	s2 =	sld [smem:$0x3F9C];
	s0 =	simm.s32 @p1 $0x1  }
0x15: {  	[smem:$0x3FB9] =	sst s0;
	s0 =	simm.s32 @!p2 $0x0  }
0x16: {  	s3 =	sld [smem:$0x3FDB];
	s0 =	simm.s32 @p2 $0x1  }
0x17: {  	s4 =	simm.s32 $0x1BF5;
	[smem:$0x3FBB] =	sst s0  }
0x18: {  	s0 =	sld [smem:$0x3F9E];
	_ =	swait.ge [sflag:s4], $0x0  }
0x19: {  	s7 =	sld [smem:$0x3F9F]  }
0x1a: {  	s8 =	sadd.s32 $0xFFFFE003, lr  }
0x1b: {  	s9 =	sadd.s32 $0xFFFFFEF7, lr;
	s5 =	simm.s32 $0xFFFFFFFF;
	p2 =	slt.u32 s8, $0xFFFFF086  }
0x1c: {  	p1 =	slt.u32 s9, $0xF7A;
	s5 =	simm.s32 @!p2 $0x0  }
0x1d: {  	s5 =	simm.s32 @p1 $0x1;
	p0 =	seq.s32 s7, s2  }
0x1e: {  	s7 =	smul.u32 @!p0 $0xF7A, s2;
	p2 =	seq.s32 @!p0 s5, $0x0  }
0x1f: {  	s9 =	smul.u32 $0xF7A, s1;
	s8 =	simm.s32 @!p0 $0x1BF5;
	p2 =	por !p2, p0  }
0x20: {  	[sflag:s8] =	ssyncset.s32 @!p0 $0xFFFFF086;
	s6 =	sadd.s32 @!p0 s3, s7;
	s7 =	simm.s32 @!p0 $0x108  }
0x21: {  	s3 =	sadd.s32 s3, s9;
	s6 =	sadd.s32 @!p0 $0x88, s6;
	s7 =	simm.s32 @p2 $0x1082  }
0x22: {  	[simem:s7], [sflag:s8] =	dma.local @!p0 [hbm:s6], $0xF7A  }
0x23: {  	s9 =	sor.u32 $0xD0000000, s2;
	s6 =	simm.s32 $0x108;
	_ =	swait.ge @!p0 [sflag:s8], $0x0  }
0x24: {  	s3 =	sadd.s32 $0x88, s3;
	s6 =	simm.s32 @!p1 $0x1082;
	[sflag:s4] =	ssyncset.s32 $0xFFFFF086  }
0x25: {  	[simem:s6], [sflag:s4] =	dma.local [hbm:s3], $0xF7A  }
0x26: {  	[smem:$0x3F9F] =	sst s1;
	(tag) =	ssettag s2;
	_ =	strace s9  }
0x27: {  	s1 =	sld [smem:$0x3FAF]  }
0x28: {  	s2 =	sld [smem:$0x3FB0]  }
0x29: {  	s4 =	sld [smem:$0x3FB2]  }
0x2a: {  	p0 =	seq.s32 s5, $0x0;
	s5 =	sld [smem:$0x3FB3]  }
0x2b: {  	s6 =	sld [smem:$0x3FB4]  }
0x2c: {  	s7 =	sld [smem:$0x3FB5]  }
0x2d: {  	s3 =	simm.s32 $0x108;
	s8 =	sld [smem:$0x3FB6]  }
0x2e: {  	s3 =	simm.s32 @!p0 $0x1082;
	s9 =	sld [smem:$0x3FB7]  }
0x2f: {  	lr =	sadd.s32 s0, s3;
	s0 =	sld [smem:$0x3FAE]  }
0x30: {  	s3 =	sld [smem:$0x3FB1]  }
0x31: {  	[smem:$0x3FBA] =	sst s10  }
0x32: {  	s10 =	sld [smem:$0x3FB8];
	_ =	sdelay $0x3  }
0x33: {  	p0 =	seq.s32 s10, $0x1;
	s10 =	sld [smem:$0x3FBA];
	_ =	sdelay $0x3  }
0x34: {  	[smem:$0x3FBA] =	sst s10  }
0x35: {  	s10 =	sld [smem:$0x3FB9];
	_ =	sdelay $0x3  }
0x36: {  	p1 =	seq.s32 s10, $0x1;
	s10 =	sld [smem:$0x3FBA];
	_ =	sdelay $0x3  }
0x37: {  	[smem:$0x3FBA] =	sst s10  }
0x38: {  	s10 =	sld [smem:$0x3FBB]  }
0x39: {  	_ = 	snop;
	(pc) =	sbr.ind lr, $3  }
0x3a: {  	_ = 	snop  }
0x3b: {  	_ = 	snop  }
0x3c: {  	p2 =	seq.s32 s10, $0x1;
	s10 =	sld [smem:$0x3FBA]  }
0x3d: {  	_ =	shalt  }
0x3e: {  	_ =	shalt  }
0x3f: {  	_ =	shalt  }
0x40: {  	_ =	shalt  }
0x41: {  	_ =	shalt  }
0x42: {  	_ =	shalt  }
0x43: {  	_ =	shalt  }
0x44: {  	_ =	shalt  }
0x45: {  	_ =	shalt  }
0x46: {  	_ =	shalt  }
0x47: {  	_ =	shalt  }
0x48: {  	_ =	shalt  }
0x49: {  	_ =	shalt  }
0x4a: {  	_ =	shalt  }
0x4b: {  	_ =	shalt  }
0x4c: {  	_ =	shalt  }
0x4d: {  	_ =	shalt  }
0x4e: {  	_ =	shalt  }
0x4f: {  	_ =	shalt  }
0x50: {  	_ =	shalt  }
0x51: {  	_ =	shalt  }
0x52: {  	_ =	shalt  }
0x53: {  	_ =	shalt  }
0x54: {  	_ =	shalt  }
0x55: {  	_ =	shalt  }
0x56: {  	_ =	shalt  }
0x57: {  	_ =	shalt  }
0x58: {  	_ =	shalt  }
0x59: {  	_ =	shalt  }
0x5a: {  	_ =	shalt  }
0x5b: {  	_ =	shalt  }
0x5c: {  	_ =	shalt  }
0x5d: {  	_ =	shalt  }
0x5e: {  	_ =	shalt  }
0x5f: {  	_ =	shalt  }
0x60: {  	_ =	shalt  }
0x61: {  	_ =	shalt  }
0x62: {  	_ =	shalt  }
0x63: {  	_ =	shalt  }
0x64: {  	_ =	shalt  }
0x65: {  	_ =	shalt  }
0x66: {  	_ =	shalt  }
0x67: {  	_ =	shalt  }
0x68: {  	_ =	shalt  }
0x69: {  	_ =	shalt  }
0x6a: {  	_ =	shalt  }
0x6b: {  	_ =	shalt  }
0x6c: {  	_ =	shalt  }
0x6d: {  	_ =	shalt  }
0x6e: {  	_ =	shalt  }
0x6f: {  	_ =	shalt  }
0x70: {  	_ =	shalt  }
0x71: {  	_ =	shalt  }
0x72: {  	_ =	shalt  }
0x73: {  	_ =	shalt  }
0x74: {  	_ =	shalt  }
0x75: {  	_ =	shalt  }
0x76: {  	_ =	shalt  }
0x77: {  	_ =	shalt  }
0x78: {  	_ =	shalt  }
0x79: {  	_ =	shalt  }
0x7a: {  	_ =	shalt  }
0x7b: {  	_ =	shalt  }
0x7c: {  	_ =	shalt  }
0x7d: {  	_ =	shalt  }
0x7e: {  	_ =	shalt  }
0x7f: {  	_ =	shalt  }
0x80: {  	_ =	shalt  }
0x81: {  	_ =	shalt  }
0x82: {  	_ =	shalt  }
0x83: {  	_ =	shalt  }
0x84: {  	_ =	shalt  }
0x85: {  	_ =	shalt  }
0x86: {  	_ =	shalt  }
0x87: {  	_ =	shalt  }
.Lfunc_end0:
.L_simem_size_0:
called_computation.1_lowered:
.L_overlay_start_0:
0x88: {  	s2 =	sld [smem:$0x3FD9]  }
0x89: {  	s3 =	sld [smem:$0x3FFE];
	_ =	sdelay $0x1  }
0x8a: {  	s1 =	srdreg.scid  }
0x8b: {  	s0 =	sand.u32 $0x1, s1  }
0x8c: {  	s17 =	sshll.u32 s0, $0xA;
	s2 =	sadd.s32 s3, s2  }
0x8d: {  	s2 =	sadd.s32 s2, s17  }
0x8e: {  	[smem:$0x3FC6] =	sst s2  }
0x8f: {  	_ = 	snop  }
0x90: {  	s2 =	sld [smem:$0x3FC8]  }
0x91: {  	s18 =	sld [smem:$0x3FD0];
	(tm) =	ssettm $0x1  }
0x92: {  	s4 =	sld [smem:$0x3FFB];
	_ =	sdelay $0x3  }
0x93: {  	_ =	strace s4  }
0x94: {  	s4 =	sld [smem:$0x3FFC];
	_ =	sdelay $0x3  }
0x95: {  	_ =	strace s4  }
0x96: {  	s4 =	sld [smem:$0x3FFD];
	_ =	sdelay $0x3  }
0x97: {  	_ =	strace s4  }
0x98: {  	_ =	strace $0x8FFFFFFF  }
0x99: {  	s19 =	sld [smem:$0x3FDB];
	_ =	sdelay $0x1  }
0x9a: {  	s5 =	simm.s32 $_scs_section_size  }
0x9b: {  	s6 =	simm.s32 $_size__tile_overlayer_lowered;
	s7 =	simm.s32 $_tile_overlayer_lowered  }
0x9c: {  	s22 =	simm.s32 $0x1BFF;
	s21 =	sshll.u32 s7, $0x1;
	s4 =	sadd.s32 s5, s19  }
0x9d: {  	s8 =	simm.s32 $0x0;
	s20 =	sshll.u32 s6, $0x1;
	s6 =	sadd.s32 s21, s4  }
0x9e: {  	[timem:s8], [sflag:s22] =	dma.local [hbm:s6], s20  }
0x9f: {  	_ =	swait.ge [sflag:s22], s20  }
0xa0: {  	s5 =	ssub.s32 $0x0, s20;
	[sflag:s22] =	ssyncset.done $0x0  }
0xa1: {  	[sflag:s22] =	ssyncadd.s32 s5;
	_ =	sdelay $0x1  }
0xa2: {  	s23 =	simm.s32 $0x1B8B  }
0xa3: {  	_ =	swait.ge [sflag:s23], $0x1  }
0xa4: {  	[sflag:s23] =	ssyncset.done $0x0  }
0xa5: {  	s25 =	simm.s32 $0x1B8E;
	s24 =	sld [smem:$0x3FFE];
	[sflag:s23] =	ssyncadd.s32 $0xFFFFFFFF  }
0xa6: {  	s26 =	simm.s32 $execute0_lowered;
	[smem:$0x3FD2] =	sst s25  }
0xa7: {  	s6 =	sshll.u32 s26, $0x1;
	_ =	strace $0x80000049;
	[dreg:$0x1] =	wrdreg $0xFFFFFFFF  }
0xa8: {  	s28 =	simm.s32 $_size_execute0_lowered;
	s4 =	sadd.s32 s4, s6;
	[dreg:$0x0] =	wrdreg $0x0  }
0xa9: {  	s6 =	sshll.u32 s28, $0x1;
	[dreg:$0x2] =	wrdreg s4  }
0xaa: {  	[dreg:$0x3] =	wrdreg s6  }
0xab: {  	[dreg:$0x4] =	wrdreg $0xC0  }
0xac: {  	_ =	task [dreg:s8], $0x5FFFF  }
0xad: {  	[dreg:$0x1] =	wrdreg $0xFFFFFFFF  }
0xae: {  	[dreg:$0x0] =	wrdreg $0x60  }
0xaf: {  	[dreg:$0x2] =	wrdreg s2  }
0xb0: {  	[dreg:$0x3] =	wrdreg s24  }
0xb1: {  	[dreg:$0x4] =	wrdreg s18  }
0xb2: {  	[dreg:$0x5] =	wrdreg $0x9  }
0xb3: {  	_ =	task.clear_ibuf [dreg:s8], $0x6FFFF;
	_ =	strace $0x90000049  }
0xb4: {  	s29 =	simm.s32 $0x9;
	_ =	strace $0x8000004B  }
0xb5: {  	_ =	swait.ge [sflag:s29], $0x1  }
0xb6: {  	[sflag:s29] =	ssyncadd.s32 $0xFFFFFFFF  }
0xb7: {  	_ =	strace $0x9000004B  }
0xb8: {  	_ =	sfence  }
0xb9: {  	s30 =	sld [smem:$0x0];
	_ =	sdelay $0x2  }
0xba: {  	s31 =	sshll.u32 s1, $0xD;
	s1 =	sshrl.u32 s1, $0x2  }
0xbb: {  	s3 =	sand.u32 $0x4000, s31;
	s1 =	sadd.s32 s1, s30  }
0xbc: {  	s0 =	sor.u32 s3, s0;
	s1 =	sshll.u32 s1, $0x11  }
0xbd: {  	s0 =	sor.u32 s1, s0  }
0xbe: {  	s0 =	sadd.s32 $0x8F2B, s0  }
0xbf: {  	[sflag:s0] =	ssyncadd.remote.s32 $0x1  }
0xc0: {  	_ =	sfence.sel $0xFFFF  }
0xc1: {  	[dreg:$0x0] =	wrdreg $0xFFFFFFFF;
	(pc) =	sbr.abs _section_cstart, $3  }
0xc2: {  	[dreg:$0x1] =	wrdreg $0xFFFFFFFF  }
0xc3: {  	_ =	task.clear_ibuf [dreg:s8], $0x2FFFF;
	_ =	strace $0x9FFFFFFF  }
0xc4: {  	(tm) =	ssettm $0x7FFFFFFF  }
0xc5: {  	_ =	shalt  }
tec
execute0_lowered:
.L_overlay_start_1:
0x0: {  	(tag) =	ssettag $0x1  }
0x1: {  	s2 =	srdreg.scid  }
0x2: {  	s1 =	rddreg [dreg:$0x0];
	s0 =	stileid.u32;
	s10 =	sand.u32 $0x1, s2  }
0x3: {  	s4 =	rddreg [dreg:$0x1];
	s30 =	sshll.u32 s0, $0x5;
	s3 =	sshll.u32 s10, $0x4  }
0x4: {  	s12 =	rddreg [dreg:$0x2];
	s13 =	sor.u32 s3, s30  }
0x5: {  	s2 =	rddreg [dreg:$0x3];
	s3 =	simm.s32 $0x0;
	s5 =	sshrl.u32 s13, $0x3  }
0x6: {  	[smem:$0x7FF] =	sst s3;
	s4 =	sadd.s32 s5, s4  }
0x7: {  	_ =	strace $0x8000004A;
	s5 =	sadd.s32 $0xC00, s4;
	s4 =	simm.s32 $0x2  }
0x8: {  	[tilespmem:s3], [sflag:$0x2] =	stream.linear.gather [hbm4b:s5+s3], $0x10, $0x38;
	[tilespmem:$0x2080] =	vst v63  }
0x9: {  	_ =	swait.ge [sflag:s4], $0x10  }
0xa: {  	[sflag:s4] =	ssyncset.done $0x0  }
0xb: {  	[sflag:s4] =	ssyncadd.s32 $0xFFFFFFF0  }
0xc: {  	v0 =	vld [tilespmem:$0x0];
	_ =	sdelay $0x4  }
0xd: {  	v1 =	vshll.u32 v0, $0x2  }
0xe: {  	v2 =	vlaneseq.u32;
	v3 =	vand.u32 $0x7, v0;
	v1 =	vand.u32 $0xFFFFFFE0, v1  }
0xf: {  	v4 =	vshrl.u32 v2, $0x3;
	v0 =	vand.u32 $0x7, v2;
	v3 =	vor.u32 v3, v1  }
0x10: {  	v1 =	vmul.u32 $0x8, v4;
	v63 =	vperm.xlane v3, v0;
	_ =	sdelay $0x1  }
0x11: {  	v4 =	vadd.s32 v1, v63  }
0x12: {  	v2 =	vor.u32 $0x8, v2  }
0x13: {  	v3 =	vperm.xlane v3, v2;
	_ =	sdelay $0x1  }
0x14: {  	vm0 =	vmmov $0xffff;
	s6 =	simm.s32 $0x80;
	s14 =	ssub.s32 $0x2, s10;
	v3 =	vadd.s32 v1, v3  }
0x15: {  	[tilespmem:s6], [sflag:$0x1] =	stream.indirect_vreg.gather [hbm4b:s1+s3], $0x80, v4, vm0, $0xb8;
	[tilespmem:$0x2080] =	vst v63  }
0x16: {  	s8 =	simm.s32 $0x880;
	s7 =	sadd.s32 $0x100, s1;
	s15 =	sshrl.u32 s14, $0x1  }
0x17: {  	[tilespmem:s8], [sflag:$0x1] =	stream.indirect_vreg.gather [hbm4b:s7+s3], $0x80, v4, vm0, $0xb8;
	[tilespmem:$0x2080] =	vst v63  }
0x18: {  	s9 =	simm.s32 $0x1080;
	s14 =	ssub.s32 s14, s15  }
0x19: {  	[tilespmem:s9], [sflag:$0x1] =	stream.indirect_vreg.gather [hbm4b:s1+s3], $0x80, v3, vm0, $0xb8;
	[tilespmem:$0x2080] =	vst v63  }
0x1a: {  	s11 =	simm.s32 $0x1;
	s10 =	simm.s32 $0x1880;
	s31 =	smax.u32 s14, $0x1  }
0x1b: {  	[tilespmem:s10], [sflag:$0x1] =	stream.indirect_vreg.gather [hbm4b:s7+s3], $0x80, v3, vm0, $0xb8;
	[tilespmem:$0x2080] =	vst v63  }
0x1c: {  	p0 =	sne.s32 s31, $0x1;
	_ =	swait.ge [sflag:s11], $0x2000  }
.Ltmp0:
0x1d: {  	s13 =	sshll.u32 s13, $0x6;
	[sflag:s11] =	ssyncset.done $0x0;
	(pc) =	sbr.rel @!p0 .LBB2_2-.Ltmp0, $4  }
0x1e: {  	s12 =	sadd.s32 s12, s13;
	[sflag:s11] =	ssyncadd.s32 $0xFFFFE000  }
0x1f: {  	[hbm4b:s12+s3] =	stream.linear.scatter [tilespmem:s6], [sflag:$0x2], $0x2000, $0x38;
	[tilespmem:$0x2080] =	vst v63  }
0x20: {  	_ =	swait.ge [sflag:s4], $0x2000  }
0x21: {  	s13 =	sadd.s32 $0xFFFFFFFF, s31;
	[sflag:s4] =	ssyncset.done $0x0  }
.LBB2_1:
0x22: {  	p0 =	sne.s32 s13, $0x1;
	s13 =	sadd.s32 $0xFFFFFFFF, s13;
	[sflag:s4] =	ssyncadd.s32 $0xFFFFE000  }
0x23: {  	[tilespmem:s3], [sflag:$0x2] =	stream.linear.gather [hbm4b:s5+s3], $0x10, $0x38;
	[tilespmem:$0x2080] =	vst v63  }
0x24: {  	_ =	swait.ge [sflag:s4], $0x10  }
0x25: {  	[sflag:s4] =	ssyncset.done $0x0  }
0x26: {  	[sflag:s4] =	ssyncadd.s32 $0xFFFFFFF0  }
0x27: {  	v3 =	vld [tilespmem:$0x0];
	_ =	sdelay $0x4  }
0x28: {  	v4 =	vshll.u32 v3, $0x2  }
0x29: {  	v3 =	vand.u32 $0x7, v3;
	v4 =	vand.u32 $0xFFFFFFE0, v4  }
0x2a: {  	v3 =	vor.u32 v3, v4  }
0x2b: {  	v4 =	vperm.xlane v3, v0;
	v3 =	vperm.xlane v3, v2;
	_ =	sdelay $0x1  }
0x2c: {  	v4 =	vadd.s32 v1, v4;
	_ =	sdelay $0x3  }
0x2d: {  	v3 =	vadd.s32 v1, v3  }
0x2e: {  	[tilespmem:s6], [sflag:$0x1] =	stream.indirect_vreg.gather [hbm4b:s1+s3], $0x80, v4, vm0, $0xb8;
	[tilespmem:$0x2080] =	vst v63  }
0x2f: {  	_ = 	snop  }
0x30: {  	[tilespmem:s8], [sflag:$0x1] =	stream.indirect_vreg.gather [hbm4b:s7+s3], $0x80, v4, vm0, $0xb8;
	[tilespmem:$0x2080] =	vst v63  }
0x31: {  	_ = 	snop  }
0x32: {  	[tilespmem:s9], [sflag:$0x1] =	stream.indirect_vreg.gather [hbm4b:s1+s3], $0x80, v3, vm0, $0xb8;
	[tilespmem:$0x2080] =	vst v63  }
0x33: {  	_ = 	snop  }
0x34: {  	[tilespmem:s10], [sflag:$0x1] =	stream.indirect_vreg.gather [hbm4b:s7+s3], $0x80, v3, vm0, $0xb8;
	[tilespmem:$0x2080] =	vst v63  }
0x35: {  	_ =	swait.ge [sflag:s11], $0x2000  }
.Ltmp1:
0x36: {  	[sflag:s11] =	ssyncset.done $0x0;
	(pc) =	sbr.rel @p0 .LBB2_1-.Ltmp1, $4  }
0x37: {  	[sflag:s11] =	ssyncadd.s32 $0xFFFFE000  }
0x38: {  	[hbm4b:s12+s3] =	stream.linear.scatter [tilespmem:s6], [sflag:$0x2], $0x2000, $0x38;
	[tilespmem:$0x2080] =	vst v63  }
0x39: {  	_ =	swait.ge [sflag:s4], $0x2000  }
0x3a: {  	[sflag:s4] =	ssyncset.done $0x0  }
.LBB2_2:
0x3b: {  	[sflag:s4] =	ssyncadd.s32 $0xFFFFE000  }
0x3c: {  	_ =	sfence.sel $0x180000  }
0x3d: {  	[bflag:$0x0] =	sbarrier.arrive $0xFFFF  }
0x3e: {  	p0 =	sne.s32 s0, $0x0;
	_ =	strace $0x9000004A  }
0x3f: {  	s0 =	sadd.s32 @!p0 $0x100000, s2;
	[bflag:$0x2] =	sbarrier.arrive $0xFFFF  }
0x40: {  	[sflag:s0] =	ssyncadd.tile.s32 @!p0 $0x1;
	_ =	shalt  }
.Lfunc_end2:
_tile_overlayer_lowered:
.L_overlay_start_2:
0x41: {  	(tag) =	ssettag $0x2  }
0x42: {  	s0 =	rddreg [dreg:$0x0];
	s2 =	stileid.u32  }
0x43: {  	s1 =	rddreg [dreg:$0x1];
	p0 =	sne.s32 s2, $0x0  }
0x44: {  	s3 =	rddreg [dreg:$0x2];
	[bflag:$0x3] =	sbarrier.arrive $0xFFFF;
	s2 =	simm.s32 @!p0 $0x1C02  }
0x45: {  	[timem:s3], [sflag:s2] =	dma.local @!p0 [hbm:s0], s1  }
0x46: {  	s0 =	simm.s32 @!p0 $0x2  }
0x47: {  	_ =	swait.ge @!p0 [sflag:s0], s1  }
0x48: {  	s1 =	ssub.s32 @!p0 $0x0, s1;
	[sflag:s0] =	ssyncset.done @!p0 $0x0  }
0x49: {  	[sflag:s0] =	ssyncadd.s32 @!p0 s1  }
0x4a: {  	[bflag:$0x3] =	sbarrier.arrive $0xFFFF  }
0x4b: {  	_ =	shalt  }

// kernel: sparse-core-data-format-call.cloned.1.call-start
scs
called_computation_lowered:
.L_overlay_start_0:
0x0: {  	s1 =	sld [smem:$0x3FD9]  }
0x1: {  	s2 =	sld [smem:$0x3FFE];
	_ =	sdelay $0x1  }
0x2: {  	s3 =	srdreg.scid  }
0x3: {  	s0 =	sand.u32 $0x1, s3  }
0x4: {  	s17 =	sshll.u32 s0, $0xA;
	s1 =	sadd.s32 s2, s1  }
0x5: {  	s1 =	sadd.s32 s1, s17  }
0x6: {  	[smem:$0x3FC6] =	sst s1  }
0x7: {  	_ = 	snop  }
0x8: {  	(tm) =	ssettm $0x1  }
0x9: {  	s18 =	sld [smem:$0x3FFB];
	_ =	sdelay $0x3  }
0xa: {  	_ =	strace s18  }
0xb: {  	s1 =	sld [smem:$0x3FFC];
	_ =	sdelay $0x3  }
0xc: {  	_ =	strace s1  }
0xd: {  	s1 =	sld [smem:$0x3FFD];
	_ =	sdelay $0x3  }
0xe: {  	_ =	strace s1  }
0xf: {  	_ =	strace $0x8FFFFFFF  }
0x10: {  	s19 =	sld [smem:$0x3FDB];
	_ =	sdelay $0x1  }
0x11: {  	s20 =	simm.s32 $_scs_section_size  }
0x12: {  	s4 =	simm.s32 $_size__tile_overlayer_lowered;
	s5 =	simm.s32 $_tile_overlayer_lowered  }
0x13: {  	s23 =	simm.s32 $0x1BFF;
	s22 =	sshll.u32 s5, $0x1;
	s1 =	sadd.s32 s20, s19  }
0x14: {  	s6 =	simm.s32 $0x0;
	s21 =	sshll.u32 s4, $0x1;
	s4 =	sadd.s32 s22, s1  }
0x15: {  	[timem:s6], [sflag:s23] =	dma.local [hbm:s4], s21  }
0x16: {  	_ =	swait.ge [sflag:s23], s21  }
0x17: {  	s2 =	ssub.s32 $0x0, s21;
	[sflag:s23] =	ssyncset.done $0x0  }
0x18: {  	[sflag:s23] =	ssyncadd.s32 s2;
	_ =	sdelay $0x1  }
0x19: {  	s24 =	simm.s32 $0x1B8B  }
0x1a: {  	_ =	swait.ge [sflag:s24], $0x1  }
0x1b: {  	[sflag:s24] =	ssyncset.done $0x0  }
0x1c: {  	s26 =	simm.s32 $0x1B8E;
	s25 =	sld [smem:$0x3FFE];
	[sflag:s24] =	ssyncadd.s32 $0xFFFFFFFF  }
0x1d: {  	s27 =	simm.s32 $execute0_lowered;
	[smem:$0x3FD2] =	sst s26  }
0x1e: {  	s4 =	sshll.u32 s27, $0x1;
	_ =	strace $0x80000046;
	[dreg:$0x1] =	wrdreg $0xFFFFFFFF  }
0x1f: {  	s28 =	simm.s32 $_size_execute0_lowered;
	s1 =	sadd.s32 s1, s4;
	[dreg:$0x0] =	wrdreg $0x0  }
0x20: {  	s4 =	sshll.u32 s28, $0x1;
	[dreg:$0x2] =	wrdreg s1  }
0x21: {  	[dreg:$0x3] =	wrdreg s4  }
0x22: {  	[dreg:$0x4] =	wrdreg $0xC0  }
0x23: {  	_ =	task [dreg:s6], $0x5FFFF  }
0x24: {  	[dreg:$0x1] =	wrdreg $0xFFFFFFFF  }
0x25: {  	[dreg:$0x0] =	wrdreg $0x60  }
0x26: {  	[dreg:$0x2] =	wrdreg s25  }
0x27: {  	[dreg:$0x3] =	wrdreg $0x9  }
0x28: {  	_ =	task.clear_ibuf [dreg:s6], $0x4FFFF;
	_ =	strace $0x90000046  }
0x29: {  	s29 =	simm.s32 $0x9;
	_ =	strace $0x80000048  }
0x2a: {  	_ =	swait.ge [sflag:s29], $0x1  }
0x2b: {  	[sflag:s29] =	ssyncadd.s32 $0xFFFFFFFF  }
0x2c: {  	_ =	strace $0x90000048  }
0x2d: {  	_ =	sfence  }
0x2e: {  	s30 =	sld [smem:$0x0];
	_ =	sdelay $0x2  }
0x2f: {  	s31 =	sshll.u32 s3, $0xD;
	s3 =	sshrl.u32 s3, $0x2  }
0x30: {  	s2 =	sand.u32 $0x4000, s31;
	s1 =	sadd.s32 s3, s30  }
0x31: {  	s0 =	sor.u32 s2, s0;
	s1 =	sshll.u32 s1, $0x11  }
0x32: {  	s0 =	sor.u32 s1, s0  }
0x33: {  	s0 =	sadd.s32 $0x8F2B, s0  }
0x34: {  	[sflag:s0] =	ssyncadd.remote.s32 $0x1  }
0x35: {  	_ =	sfence.sel $0xFFFF  }
0x36: {  	[dreg:$0x0] =	wrdreg $0xFFFFFFFF;
	(pc) =	sbr.abs _section_cstart, $3  }
0x37: {  	[dreg:$0x1] =	wrdreg $0xFFFFFFFF  }
0x38: {  	_ =	task.clear_ibuf [dreg:s6], $0x2FFFF;
	_ =	strace $0x9FFFFFFF  }
0x39: {  	(tm) =	ssettm $0x7FFFFFFF  }
tec
execute0_lowered:
.L_overlay_start_1:
0x0: {  	(tag) =	ssettag $0x1  }
0x1: {  	s4 =	rddreg [dreg:$0x0]  }
0x2: {  	s1 =	srdreg.scid;
	s0 =	rddreg [dreg:$0x1]  }
0x3: {  	_ =	strace $0x80000047;
	s31 =	simm.s32 $0x2;
	s15 =	simm.s32 $0x0  }
0x4: {  	s11 =	simm.s32 $0x0;
	s14 =	simm.s32 $0x0;
	s2 =	sshll.u32 s1, $0x4  }
0x5: {  	s13 =	simm.s32 $0x0;
	s1 =	stileid.u32;
	s2 =	sand.u32 $0x10, s2  }
0x6: {  	s3 =	sshll.u32 s1, $0x6;
	s26 =	sshll.u32 s1, $0x3;
	s5 =	sor.u32 s1, s2  }
0x7: {  	s3 =	sand.u32 $0x100, s3;
	s2 =	sand.u32 $0x18, s26;
	s6 =	sshll.u32 s5, $0x7  }
0x8: {  	s7 =	sadd.s32 s3, s4;
	s27 =	ssub.s32 $0x3E0, s2;
	s4 =	sadd.s32 $0x2F0C00, s4  }
0x9: {  	s29 =	sshll.u32 s5, $0x6;
	s5 =	simm.s32 $0x1;
	s3 =	sand.u32 $0xE00, s6  }
0xa: {  	s8 =	sand.u32 $0x18, s27;
	s6 =	sshrl.u32 s27, $0x5;
	s9 =	ssub.s32 $0x1000, s3  }
0xb: {  	p0 =	sne.s32 s8, $0x0;
	s8 =	simm.s32 $0x1;
	s10 =	sand.u32 $0xE00, s9  }
0xc: {  	s8 =	simm.s32 @!p0 $0x0;
	p0 =	sne.s32 s10, $0x0;
	s10 =	simm.s32 $0x1  }
.Ltmp0:
0xd: {  	s9 =	sshrl.u32 s9, $0xC;
	s10 =	simm.s32 @!p0 $0x0;
	(pc) =	sbr.rel .LBB1_1-.Ltmp0, $4  }
0xe: {  	s30 =	sand.u32 $0x600, s29;
	s6 =	sadd.s32 s8, s6;
	s28 =	sadd.s32 s10, s9  }
0xf: {  	[sflag:s5] =	ssyncpa.u1 $0x0;
	s7 =	sadd.s32 s30, s7;
	s6 =	smul.u32 s6, s28  }
0x10: {  	s12 =	smov.u32 s2;
	[sflag:s31] =	ssyncpa.u1 $0x0;
	s7 =	sadd.s32 $0x100C00, s7  }
0x11: {  	s9 =	simm.s32 $0x1000;
	s10 =	simm.s32 $0x3E0000;
	s8 =	sadd.s32 $0x1, s6  }
.LBB1_7:
0x12: {  	s16 =	sadd.s32 $0x20, s12  }
0x13: {  	p1 =	sgt.s32 s16, $0x3DF  }
0x14: {  	s16 =	smov.u32 @p1 s2;
	p1 =	sne.s32 s13, s8  }
.Ltmp1:
0x15: {  	p0 =	slt.u32 s13, $0x2;
	(pc) =	sbr.rel @!p1 .LBB1_8-.Ltmp1, $4  }
0x16: {  	s15 =	simm.s32 @!p0 $0x2  }
0x17: {  	s17 =	sadd.s32 $0x1, s13;
	s14 =	smov.u32 s12;
	_ =	swait.ge @!p0 [sflag:s15], $0x4000  }
0x18: {  	s11 =	sadd.s32 $0x4000, s11;
	s13 =	smov.u32 s17;
	[sflag:s15] =	ssyncset.done @!p0 $0x0  }
0x19: {  	s12 =	smov.u32 s16;
	[sflag:s15] =	ssyncadd.s32 @!p0 $0xFFFFC000;
	s15 =	smov.u32 s3  }
.LBB1_1:
0x1a: {  	p0 =	sge.u32 s13, s6  }
0x1b: {  	s31 =	sadd.s32 $0xFFFFFFFF, s13;
	s16 =	sxor.u32 @!p0 $0xFFFFFFFF, s13  }
0x1c: {  	s17 =	sshll.u32 @!p0 s12, $0xB;
	s18 =	simm.s32 @!p0 $0x800;
	s16 =	sshll.u32 @!p0 s16, $0xE  }
0x1d: {  	s19 =	simm.s32 @!p0 $0x4000;
	s17 =	sadd.s32 @!p0 s17, s7;
	s16 =	sand.u32 @!p0 $0x4000, s16  }
0x1e: {  	[tilespmem:s16], [sflag:$0x1] =	stream.strided.gather @!p0 [hbm4b:s17+s18], $0x4000, s19, s18, $0x38;
	[tilespmem:$0x10000] =	vst v63  }
0x1f: {  	p0 =	sge.u32 s31, s6  }
.Ltmp2:
0x20: {  	_ = 	snop;
	(pc) =	sbr.rel @p0 .LBB1_7-.Ltmp2, $1  }
0x21: {  	_ =	sdelay $0x3  }
0x22: {  	s16 =	sshll.u32 s11, $0x2;
	_ =	swait.ge [sflag:s5], $0x4000;
	s31 =	sshll.u32 s13, $0xE  }
0x23: {  	s20 =	simm.s32 $0x0;
	s21 =	simm.s32 $0x0;
	s16 =	sand.u32 $0x10000, s16  }
0x24: {  	s22 =	simm.s32 $0x0;
	[sflag:s5] =	ssyncset.done $0x0;
	s19 =	sshrl.u32 s16, $0x2  }
0x25: {  	s16 =	sand.u32 $0x4000, s31;
	[sflag:s5] =	ssyncadd.s32 $0xFFFFC000;
	s17 =	sor.u32 $0x400, s19  }
0x26: {  	s18 =	sor.u32 $0x8000, s19;
	s16 =	sor.u32 $0x8000, s16;
	s19 =	sadd.s32 $0x8C00, s19  }
.LBB1_3:
0x27: {  	v0 =	vmov s18;
	v1 =	vld [tilespmem:s17+$0x270]  }
0x28: {  	v2 =	vld [tilespmem:s17+$0xFFFFFC10]  }
0x29: {  	v3 =	vld [tilespmem:s17+$0xFFFFFC20]  }
0x2a: {  	s23 =	sshll.u32 s21, $0x2;
	s24 =	sand.u32 $0x3, s20;
	v4 =	vld [tilespmem:s17+$0xFFFFFC30]  }
0x2b: {  	v5 =	vld [tilespmem:s17+$0xFFFFFC40];
	s25 =	sand.u32 $0xFFFFF800, s23;
	s24 =	sshll.u32 s24, $0x9;
	s23 =	simm.s32 $0x0  }
0x2c: {  	v6 =	vld [tilespmem:s17+$0xFFFFFC50];
	s24 =	sor.u32 s24, s25;
	[tilespmem:v0+s23+$0xC70 ss:$0x1] =	vst.idx.msk $0xffff, v1  }
0x2d: {  	v7 =	vld [tilespmem:s17+$0x220];
	s24 =	sshrl.u32 s24, $0x2;
	[tilespmem:v0+s23+$0x10 ss:$0x1] =	vst.idx.msk $0xffff, v2  }
0x2e: {  	v8 =	vld [tilespmem:s17+$0x230];
	s24 =	sadd.s32 s24, s19;
	[tilespmem:v0+s23+$0x20 ss:$0x1] =	vst.idx.msk $0xffff, v3  }
0x2f: {  	v1 =	vmov s24;
	[tilespmem:v0+s23+$0x30 ss:$0x1] =	vst.idx.msk $0xffff, v4;
	v4 =	vld [tilespmem:s17+$0xFFFFFE00]  }
0x30: {  	[tilespmem:v0+s23+$0x40 ss:$0x1] =	vst.idx.msk $0xffff, v5;
	v5 =	vld [tilespmem:s17+$0xFFFFFE10]  }
0x31: {  	[tilespmem:v0+s23+$0x50 ss:$0x1] =	vst.idx.msk $0xffff, v6;
	v6 =	vld [tilespmem:s17+$0xFFFFFE20]  }
0x32: {  	v2 =	vld [tilespmem:s17+$0xFFFFFC60];
	[tilespmem:v0+s23+$0xC20 ss:$0x1] =	vst.idx.msk $0xffff, v7  }
0x33: {  	v3 =	vld [tilespmem:s17+$0xFFFFFC70];
	[tilespmem:v0+s23+$0xC30 ss:$0x1] =	vst.idx.msk $0xffff, v8  }
0x34: {  	[tilespmem:v1+s23+$0xFFFFF800 ss:$0x1] =	vst.idx.msk $0xffff, v4;
	v4 =	vld [tilespmem:s17+$0xFFFFFE50]  }
0x35: {  	[tilespmem:v0+s23+$0x410 ss:$0x1] =	vst.idx.msk $0xffff, v5;
	v5 =	vld [tilespmem:s17+$0xFFFFFE60]  }
0x36: {  	[tilespmem:v0+s23+$0x420 ss:$0x1] =	vst.idx.msk $0xffff, v6;
	v6 =	vld [tilespmem:s17+$0xFFFFFE70]  }
0x37: {  	[tilespmem:v0+s23+$0x60 ss:$0x1] =	vst.idx.msk $0xffff, v2;
	v2 =	vld [tilespmem:s17+$0xFFFFFE30]  }
0x38: {  	[tilespmem:v0+s23+$0x70 ss:$0x1] =	vst.idx.msk $0xffff, v3;
	v3 =	vld [tilespmem:s17+$0xFFFFFE40]  }
0x39: {  	[tilespmem:v0+s23+$0x450 ss:$0x1] =	vst.idx.msk $0xffff, v4;
	v4 =	vld [tilespmem:s17+$0x20]  }
0x3a: {  	[tilespmem:v0+s23+$0x460 ss:$0x1] =	vst.idx.msk $0xffff, v5;
	v5 =	vld [tilespmem:s17+$0x30]  }
0x3b: {  	[tilespmem:v0+s23+$0x470 ss:$0x1] =	vst.idx.msk $0xffff, v6;
	v6 =	vld [tilespmem:s17+$0x40]  }
0x3c: {  	[tilespmem:v0+s23+$0x430 ss:$0x1] =	vst.idx.msk $0xffff, v2;
	v2 =	vld [tilespmem:s17+$0x0]  }
0x3d: {  	[tilespmem:v0+s23+$0x440 ss:$0x1] =	vst.idx.msk $0xffff, v3;
	v3 =	vld [tilespmem:s17+$0x10]  }
0x3e: {  	[tilespmem:v0+s23+$0x820 ss:$0x1] =	vst.idx.msk $0xffff, v4;
	v4 =	vld [tilespmem:s17+$0x70]  }
0x3f: {  	[tilespmem:v0+s23+$0x830 ss:$0x1] =	vst.idx.msk $0xffff, v5;
	v5 =	vld [tilespmem:s17+$0x200]  }
0x40: {  	[tilespmem:v0+s23+$0x840 ss:$0x1] =	vst.idx.msk $0xffff, v6;
	v6 =	vld [tilespmem:s17+$0x210]  }
0x41: {  	[tilespmem:v1+s23+$0xFFFFFC00 ss:$0x1] =	vst.idx.msk $0xffff, v2;
	v2 =	vld [tilespmem:s17+$0x50]  }
0x42: {  	[tilespmem:v0+s23+$0x810 ss:$0x1] =	vst.idx.msk $0xffff, v3;
	v3 =	vld [tilespmem:s17+$0x60]  }
0x43: {  	[tilespmem:v0+s23+$0x870 ss:$0x1] =	vst.idx.msk $0xffff, v4;
	v4 =	vld [tilespmem:s17+$0x240]  }
0x44: {  	[tilespmem:v1+s23+$0x0 ss:$0x1] =	vst.idx.msk $0xffff, v5;
	v5 =	vld [tilespmem:s17+$0x250]  }
0x45: {  	[tilespmem:v0+s23+$0xC10 ss:$0x1] =	vst.idx.msk $0xffff, v6;
	v6 =	vld [tilespmem:s17+$0x260]  }
0x46: {  	s24 =	sadd.s32 $0x80, s17;
	[tilespmem:v0+s23+$0x850 ss:$0x1] =	vst.idx.msk $0xffff, v2;
	v2 =	vld [tilespmem:s17+$0xFFFFFC00]  }
0x47: {  	s26 =	simm.s32 $0x8000;
	s25 =	simm.s32 $0x4000;
	[tilespmem:v0+s23+$0x860 ss:$0x1] =	vst.idx.msk $0xffff, v3;
	v3 =	vld [tilespmem:s24+$0x270]  }
.LBB1_4:
0x48: {  	p0 =	sne.s32 s26, $0xC000;
	v7 =	vld [tilespmem:s24+$0xFFFFFC10];
	[tilespmem:v0+s23+$0xC40 ss:$0x1] =	vst.idx.msk $0xffff, v4  }
0x49: {  	v4 =	vld [tilespmem:s24+$0xFFFFFC20];
	[tilespmem:v0+s23+$0xC50 ss:$0x1] =	vst.idx.msk $0xffff, v5  }
0x4a: {  	v5 =	vld [tilespmem:s24+$0xFFFFFC30];
	[tilespmem:v0+s23+$0xC60 ss:$0x1] =	vst.idx.msk $0xffff, v6  }
0x4b: {  	v6 =	vld [tilespmem:s24+$0xFFFFFC40];
	[tilespmem:v0+s23+$0x0 ss:$0x1] =	vst.idx.msk $0xffff, v2;
	s23 =	sshra.s32 s25, $0x2;
	s25 =	smov.u32 s26  }
0x4c: {  	v2 =	vld [tilespmem:s24+$0xFFFFFC50];
	[tilespmem:v0+s23+$0xC70 ss:$0x1] =	vst.idx.msk $0xffff, v3  }
0x4d: {  	[tilespmem:v0+s23+$0x10 ss:$0x1] =	vst.idx.msk $0xffff, v7;
	v3 =	vld [tilespmem:s24+$0xFFFFFC60]  }
0x4e: {  	[tilespmem:v0+s23+$0x20 ss:$0x1] =	vst.idx.msk $0xffff, v4;
	v4 =	vld [tilespmem:s24+$0xFFFFFC70]  }
0x4f: {  	[tilespmem:v0+s23+$0x30 ss:$0x1] =	vst.idx.msk $0xffff, v5;
	v5 =	vld [tilespmem:s24+$0xFFFFFE00]  }
0x50: {  	[tilespmem:v0+s23+$0x40 ss:$0x1] =	vst.idx.msk $0xffff, v6;
	v6 =	vld [tilespmem:s24+$0xFFFFFE10]  }
0x51: {  	[tilespmem:v0+s23+$0x50 ss:$0x1] =	vst.idx.msk $0xffff, v2;
	v2 =	vld [tilespmem:s24+$0xFFFFFE20]  }
0x52: {  	[tilespmem:v0+s23+$0x60 ss:$0x1] =	vst.idx.msk $0xffff, v3;
	v3 =	vld [tilespmem:s24+$0xFFFFFE30]  }
0x53: {  	[tilespmem:v0+s23+$0x70 ss:$0x1] =	vst.idx.msk $0xffff, v4;
	v4 =	vld [tilespmem:s24+$0xFFFFFE40]  }
0x54: {  	[tilespmem:v1+s23+$0xFFFFF800 ss:$0x1] =	vst.idx.msk $0xffff, v5;
	v5 =	vld [tilespmem:s24+$0xFFFFFE50]  }
0x55: {  	[tilespmem:v0+s23+$0x410 ss:$0x1] =	vst.idx.msk $0xffff, v6;
	v6 =	vld [tilespmem:s24+$0xFFFFFE60]  }
0x56: {  	[tilespmem:v0+s23+$0x420 ss:$0x1] =	vst.idx.msk $0xffff, v2;
	v2 =	vld [tilespmem:s24+$0xFFFFFE70]  }
0x57: {  	[tilespmem:v0+s23+$0x430 ss:$0x1] =	vst.idx.msk $0xffff, v3;
	v3 =	vld [tilespmem:s24+$0x0]  }
0x58: {  	[tilespmem:v0+s23+$0x440 ss:$0x1] =	vst.idx.msk $0xffff, v4;
	v4 =	vld [tilespmem:s24+$0x10]  }
0x59: {  	[tilespmem:v0+s23+$0x450 ss:$0x1] =	vst.idx.msk $0xffff, v5;
	v5 =	vld [tilespmem:s24+$0x20]  }
0x5a: {  	[tilespmem:v0+s23+$0x460 ss:$0x1] =	vst.idx.msk $0xffff, v6;
	v6 =	vld [tilespmem:s24+$0x30]  }
0x5b: {  	[tilespmem:v0+s23+$0x470 ss:$0x1] =	vst.idx.msk $0xffff, v2;
	v2 =	vld [tilespmem:s24+$0x40]  }
0x5c: {  	[tilespmem:v1+s23+$0xFFFFFC00 ss:$0x1] =	vst.idx.msk $0xffff, v3;
	v3 =	vld [tilespmem:s24+$0x50]  }
0x5d: {  	[tilespmem:v0+s23+$0x810 ss:$0x1] =	vst.idx.msk $0xffff, v4;
	v4 =	vld [tilespmem:s24+$0x60]  }
0x5e: {  	[tilespmem:v0+s23+$0x820 ss:$0x1] =	vst.idx.msk $0xffff, v5;
	v5 =	vld [tilespmem:s24+$0x70]  }
0x5f: {  	[tilespmem:v0+s23+$0x830 ss:$0x1] =	vst.idx.msk $0xffff, v6;
	v6 =	vld [tilespmem:s24+$0x200]  }
0x60: {  	[tilespmem:v0+s23+$0x840 ss:$0x1] =	vst.idx.msk $0xffff, v2;
	v2 =	vld [tilespmem:s24+$0x210]  }
0x61: {  	[tilespmem:v0+s23+$0x850 ss:$0x1] =	vst.idx.msk $0xffff, v3;
	v3 =	vld [tilespmem:s24+$0x220]  }
0x62: {  	[tilespmem:v0+s23+$0x860 ss:$0x1] =	vst.idx.msk $0xffff, v4;
	v7 =	vld [tilespmem:s24+$0x230]  }
.Ltmp3:
0x63: {  	[tilespmem:v0+s23+$0x870 ss:$0x1] =	vst.idx.msk $0xffff, v5;
	v4 =	vld [tilespmem:s24+$0x240];
	(pc) =	sbr.rel @p0 .LBB1_4-.Ltmp3, $4  }
0x64: {  	[tilespmem:v1+s23+$0x0 ss:$0x1] =	vst.idx.msk $0xffff, v6;
	v5 =	vld [tilespmem:s24+$0x250]  }
0x65: {  	[tilespmem:v0+s23+$0xC10 ss:$0x1] =	vst.idx.msk $0xffff, v2;
	v6 =	vld [tilespmem:s24+$0x260]  }
0x66: {  	v2 =	vld [tilespmem:s24+$0xFFFFFC00];
	[tilespmem:v0+s23+$0xC20 ss:$0x1] =	vst.idx.msk $0xffff, v3;
	s24 =	sadd.s32 $0x80, s24  }
0x67: {  	s26 =	sadd.s32 $0x4000, s26;
	v3 =	vld [tilespmem:s24+$0x270];
	[tilespmem:v0+s23+$0xC30 ss:$0x1] =	vst.idx.msk $0xffff, v7  }
0x68: {  	_ =	sdelay $0x3  }
0x69: {  	v7 =	vld [tilespmem:s24+$0xFFFFFC10];
	[tilespmem:v0+s23+$0xC40 ss:$0x1] =	vst.idx.msk $0xffff, v4  }
0x6a: {  	v34 =	vld [tilespmem:s24+$0xFFFFFC20];
	[tilespmem:v0+s23+$0xC50 ss:$0x1] =	vst.idx.msk $0xffff, v5  }
0x6b: {  	v35 =	vld [tilespmem:s24+$0xFFFFFC30];
	[tilespmem:v0+s23+$0xC60 ss:$0x1] =	vst.idx.msk $0xffff, v6  }
0x6c: {  	s25 =	sshra.s32 s25, $0x2;
	v36 =	vld [tilespmem:s24+$0xFFFFFC40];
	[tilespmem:v0+s23+$0x0 ss:$0x1] =	vst.idx.msk $0xffff, v2  }
0x6d: {  	v37 =	vld [tilespmem:s24+$0xFFFFFC50];
	[tilespmem:v0+s25+$0xC70 ss:$0x1] =	vst.idx.msk $0xffff, v3  }
0x6e: {  	v38 =	vld [tilespmem:s24+$0xFFFFFC60];
	[tilespmem:v0+s25+$0x10 ss:$0x1] =	vst.idx.msk $0xffff, v7  }
0x6f: {  	v39 =	vld [tilespmem:s24+$0xFFFFFC70];
	[tilespmem:v0+s25+$0x20 ss:$0x1] =	vst.idx.msk $0xffff, v34  }
0x70: {  	v40 =	vld [tilespmem:s24+$0xFFFFFE00];
	[tilespmem:v0+s25+$0x30 ss:$0x1] =	vst.idx.msk $0xffff, v35  }
0x71: {  	v41 =	vld [tilespmem:s24+$0xFFFFFE10];
	[tilespmem:v0+s25+$0x40 ss:$0x1] =	vst.idx.msk $0xffff, v36  }
0x72: {  	v42 =	vld [tilespmem:s24+$0xFFFFFE20];
	[tilespmem:v0+s25+$0x50 ss:$0x1] =	vst.idx.msk $0xffff, v37  }
0x73: {  	v43 =	vld [tilespmem:s24+$0xFFFFFE30];
	[tilespmem:v0+s25+$0x60 ss:$0x1] =	vst.idx.msk $0xffff, v38  }
0x74: {  	v44 =	vld [tilespmem:s24+$0xFFFFFE40];
	[tilespmem:v0+s25+$0x70 ss:$0x1] =	vst.idx.msk $0xffff, v39  }
0x75: {  	v45 =	vld [tilespmem:s24+$0xFFFFFE50];
	[tilespmem:v1+s25+$0xFFFFF800 ss:$0x1] =	vst.idx.msk $0xffff, v40  }
0x76: {  	v46 =	vld [tilespmem:s24+$0xFFFFFE60];
	[tilespmem:v0+s25+$0x410 ss:$0x1] =	vst.idx.msk $0xffff, v41  }
0x77: {  	v47 =	vld [tilespmem:s24+$0xFFFFFE70];
	[tilespmem:v0+s25+$0x420 ss:$0x1] =	vst.idx.msk $0xffff, v42  }
0x78: {  	v48 =	vld [tilespmem:s24+$0x0];
	[tilespmem:v0+s25+$0x430 ss:$0x1] =	vst.idx.msk $0xffff, v43  }
0x79: {  	v49 =	vld [tilespmem:s24+$0x10];
	[tilespmem:v0+s25+$0x440 ss:$0x1] =	vst.idx.msk $0xffff, v44  }
0x7a: {  	v50 =	vld [tilespmem:s24+$0x20];
	[tilespmem:v0+s25+$0x450 ss:$0x1] =	vst.idx.msk $0xffff, v45  }
0x7b: {  	v51 =	vld [tilespmem:s24+$0x30];
	[tilespmem:v0+s25+$0x460 ss:$0x1] =	vst.idx.msk $0xffff, v46  }
0x7c: {  	v52 =	vld [tilespmem:s24+$0x40];
	[tilespmem:v0+s25+$0x470 ss:$0x1] =	vst.idx.msk $0xffff, v47  }
0x7d: {  	v53 =	vld [tilespmem:s24+$0x50];
	[tilespmem:v1+s25+$0xFFFFFC00 ss:$0x1] =	vst.idx.msk $0xffff, v48  }
0x7e: {  	v54 =	vld [tilespmem:s24+$0x60];
	[tilespmem:v0+s25+$0x810 ss:$0x1] =	vst.idx.msk $0xffff, v49  }
0x7f: {  	v55 =	vld [tilespmem:s24+$0x70];
	[tilespmem:v0+s25+$0x820 ss:$0x1] =	vst.idx.msk $0xffff, v50  }
0x80: {  	v56 =	vld [tilespmem:s24+$0x200];
	[tilespmem:v0+s25+$0x830 ss:$0x1] =	vst.idx.msk $0xffff, v51  }
0x81: {  	v57 =	vld [tilespmem:s24+$0x210];
	[tilespmem:v0+s25+$0x840 ss:$0x1] =	vst.idx.msk $0xffff, v52  }
0x82: {  	v58 =	vld [tilespmem:s24+$0x220];
	[tilespmem:v0+s25+$0x850 ss:$0x1] =	vst.idx.msk $0xffff, v53  }
0x83: {  	v59 =	vld [tilespmem:s24+$0x230];
	[tilespmem:v0+s25+$0x860 ss:$0x1] =	vst.idx.msk $0xffff, v54  }
0x84: {  	v60 =	vld [tilespmem:s24+$0x240];
	[tilespmem:v0+s25+$0x870 ss:$0x1] =	vst.idx.msk $0xffff, v55  }
0x85: {  	v61 =	vld [tilespmem:s24+$0x250];
	[tilespmem:v1+s25+$0x0 ss:$0x1] =	vst.idx.msk $0xffff, v56  }
0x86: {  	v62 =	vld [tilespmem:s24+$0x260];
	s22 =	sadd.s32 $0x1, s22;
	[tilespmem:v0+s25+$0xC10 ss:$0x1] =	vst.idx.msk $0xffff, v57  }
0x87: {  	v63 =	vld [tilespmem:s24+$0xFFFFFC00];
	p0 =	sne.s32 s22, $0x8;
	[tilespmem:v0+s25+$0xC20 ss:$0x1] =	vst.idx.msk $0xffff, v58  }
.Ltmp4:
0x88: {  	[tilespmem:v0+s25+$0xC30 ss:$0x1] =	vst.idx.msk $0xffff, v59;
	(pc) =	sbr.rel @p0 .LBB1_3-.Ltmp4, $4  }
0x89: {  	[tilespmem:v0+s25+$0xC40 ss:$0x1] =	vst.idx.msk $0xffff, v60  }
0x8a: {  	[tilespmem:v0+s25+$0xC50 ss:$0x1] =	vst.idx.msk $0xffff, v61  }
0x8b: {  	s17 =	sadd.s32 $0x800, s17;
	[tilespmem:v0+s25+$0xC60 ss:$0x1] =	vst.idx.msk $0xffff, v62  }
0x8c: {  	s21 =	sadd.s32 $0x80, s21;
	s20 =	sadd.s32 $0x1, s20;
	s18 =	sadd.s32 $0x80, s18;
	[tilespmem:v0+s25+$0x0 ss:$0x1] =	vst.idx.msk $0xffff, v63  }
0x8d: {  	s17 =	sshll.u32 s14, $0xC  }
0x8e: {  	s15 =	sshll.u32 s15, $0x3;
	s17 =	sand.u32 $0xFFFF8000, s17  }
0x8f: {  	s15 =	sor.u32 s15, s17  }
0x90: {  	s15 =	sshrl.u32 s15, $0xC  }
0x91: {  	s30 =	smulhi.u32 $0x421085, s15;
	_ =	sdelay $0x1  }
0x92: {  	s17 =	smul.u32 $0x3E0, s30  }
.Ltmp5:
0x93: {  	s31 =	sshll.u32 s14, $0x4;
	(pc) =	sbr.rel .LBB1_7-.Ltmp5, $4  }
0x94: {  	s14 =	sand.u32 $0x70, s31;
	s15 =	ssub.s32 s15, s17  }
0x95: {  	s14 =	sadd.s32 s4, s14;
	s15 =	sshll.u32 s15, $0x9  }
0x96: {  	s14 =	sadd.s32 s15, s14  }
0x97: {  	[hbm4b:s14+s9] =	stream.strided.scatter [tilespmem:s16], [sflag:$0x2], $0x4000, s10, s9, $0x38;
	[tilespmem:$0x10000] =	vst v63  }
.LBB1_8:
0x98: {  	_ =	sfence.sel $0x180000  }
0x99: {  	s2 =	simm.s32 $0x1;
	[bflag:$0x0] =	sbarrier.arrive $0xFFFF  }
0x9a: {  	s31 =	simm.s32 $0x2;
	[sflag:s2] =	ssyncpa.u1 $0x1  }
0x9b: {  	[sflag:s31] =	ssyncpa.u1 $0x1  }
0x9c: {  	p0 =	sne.s32 s1, $0x0;
	_ =	strace $0x90000047  }
0x9d: {  	s0 =	sadd.s32 @!p0 $0x100000, s0;
	[bflag:$0x2] =	sbarrier.arrive $0xFFFF  }
0x9e: {  	[sflag:s0] =	ssyncadd.tile.s32 @!p0 $0x1;
	_ =	shalt  }
.Lfunc_end1:
_tile_overlayer_lowered:
.L_overlay_start_2:
0x9f: {  	(tag) =	ssettag $0x2  }
0xa0: {  	s0 =	rddreg [dreg:$0x0];
	s2 =	stileid.u32  }
0xa1: {  	s1 =	rddreg [dreg:$0x1];
	p0 =	sne.s32 s2, $0x0  }
0xa2: {  	s3 =	rddreg [dreg:$0x2];
	[bflag:$0x3] =	sbarrier.arrive $0xFFFF;
	s2 =	simm.s32 @!p0 $0x1C01  }
0xa3: {  	[timem:s3], [sflag:s2] =	dma.local @!p0 [hbm:s0], s1  }
0xa4: {  	s0 =	simm.s32 @!p0 $0x1  }
0xa5: {  	_ =	swait.ge @!p0 [sflag:s0], s1  }
0xa6: {  	s1 =	ssub.s32 @!p0 $0x0, s1;
	[sflag:s0] =	ssyncset.done @!p0 $0x0  }
0xa7: {  	[sflag:s0] =	ssyncadd.s32 @!p0 s1  }
0xa8: {  	[bflag:$0x3] =	sbarrier.arrive $0xFFFF  }
0xa9: {  	_ =	shalt  }

</sc_bundles>
